<compile_context>
chip_gen: v7x
topology: tpu7x:2x2x1
jax: 0.10.2.dev20260603
libtpu: 0.0.44.dev20260713+nightly
codegen_flags: <defaults>
</compile_context>

<pallas_src>
import functools

import jax
import jax.numpy as jnp
from jax import lax
from jax.experimental import pallas as pl
from jax.experimental.pallas import tpu as pltpu
from jax.experimental.pallas import tpu_sc as plsc

N_NODES = 10000
N_EDGES = 320000
D = 128
NUM_GRAPHS = 16

NC, NS = 2, 16
NTILES = NC * NS
CH = 128
CPT = 79
E_PAD = NTILES * CPT * CH
HS0 = (CPT + 1) // 2
HALVES = (HS0, CPT - HS0)
DUMMY = N_NODES
NP = 10112
ZR = NP // NS

@functools.cache
def _sc_kernels():
    mesh = plsc.VectorSubcoreMesh(
        core_axis_name="c", subcore_axis_name="s", num_cores=NC, num_subcores=NS
    )

    @functools.partial(
        pl.kernel,
        out_type=jax.ShapeDtypeStruct((NC, NP, D), jnp.float32),
        mesh=mesh,
        scratch_types=(
            pltpu.VMEM((CPT, CH), jnp.int32),
            pltpu.VMEM((CPT, CH), jnp.int32),
            pltpu.VMEM((CH, D), jnp.float32),
            pltpu.VMEM_SHARED((NP, D), jnp.float32),
            pltpu.SemaphoreType.DMA,
        ),
    )
    def _edge_scatter(y_hbm, src_hbm, dst_hbm, z_hbm, out_hbm,
                      srcs, dsts, rows, acc, sem):
        cid = lax.axis_index("c")
        sid = lax.axis_index("s")
        wid = cid * NS + sid
        r0 = sid * ZR
        pltpu.sync_copy(z_hbm, acc.at[pl.ds(r0, ZR)])
        pltpu.sync_copy(src_hbm.at[wid], srcs)
        pltpu.sync_copy(dst_hbm.at[wid], dsts)
        plsc.subcore_barrier()

        def body(j, carry):
            pltpu.async_copy(y_hbm.at[srcs.at[j]], rows, sem).wait()
            pltpu.sync_copy(rows, acc.at[dsts.at[j]], add=True)
            return carry

        lax.fori_loop(0, CPT, body, 0)
        plsc.subcore_barrier()
        pltpu.sync_copy(acc.at[pl.ds(r0, ZR)], out_hbm.at[cid, pl.ds(r0, ZR)])

    @functools.partial(
        pl.kernel,
        out_type=jax.ShapeDtypeStruct((NC, NP, 16), jnp.float32),
        mesh=mesh,
        scratch_types=(
            pltpu.VMEM((CPT, CH), jnp.int32),
            pltpu.VMEM((CH, 16), jnp.float32),
            pltpu.VMEM_SHARED((NP, 16), jnp.float32),
        ),
    )
    def _deg_scatter(dst_hbm, z_hbm, ones_hbm, out_hbm, dsts, ones, acc):
        cid = lax.axis_index("c")
        sid = lax.axis_index("s")
        wid = cid * NS + sid
        r0 = sid * ZR
        pltpu.sync_copy(z_hbm, acc.at[pl.ds(r0, ZR)])
        pltpu.sync_copy(dst_hbm.at[wid], dsts)
        pltpu.sync_copy(ones_hbm, ones)
        plsc.subcore_barrier()

        def body(j, carry):
            pltpu.sync_copy(ones, acc.at[dsts.at[j]], add=True)
            return carry

        lax.fori_loop(0, CPT, body, 0)
        plsc.subcore_barrier()
        pltpu.sync_copy(acc.at[pl.ds(r0, ZR)], out_hbm.at[cid, pl.ds(r0, ZR)])

    return _edge_scatter, _deg_scatter


def _dis_of(degp):
    deg = degp[0, :, 0:1] + degp[1, :, 0:1] + 1.0
    return 1.0 / jnp.sqrt(deg)


def _enc_body(x_ref, w_ref, b_ref, o_ref):
    v = jnp.dot(x_ref[...], w_ref[...], preferred_element_type=jnp.float32)
    v = v + b_ref[...]
    o_ref[...] = jnp.where(v > 0, v, jnp.exp(jnp.minimum(v, 0.0)) - 1.0)


def _pre_body(h_ref, w_ref, degp_ref, o_ref):
    dis = _dis_of(degp_ref[...])
    o_ref[...] = (
        jnp.dot(h_ref[...], w_ref[...], preferred_element_type=jnp.float32) * dis
    )


def _postpre_body(p_ref, y_ref, degp_ref, b_ref, g_ref, be_ref, w_ref, o_ref):
    dis = _dis_of(degp_ref[...])
    accv = p_ref[0] + p_ref[1] + y_ref[...]
    t = jnp.maximum(accv * dis + b_ref[...], 0.0)
    mu = jnp.mean(t, axis=-1, keepdims=True)
    var = jnp.mean((t - mu) ** 2, axis=-1, keepdims=True)
    h = (t - mu) / jnp.sqrt(var + 1e-5) * g_ref[...] + be_ref[...]
    o_ref[...] = (
        jnp.dot(h, w_ref[...], preferred_element_type=jnp.float32) * dis
    )


def _final_body(p_ref, y_ref, degp_ref, b_ref, g_ref, be_ref, bat_ref,
                pw_ref, pb_ref, o_ref, sums, cnts):
    i = pl.program_id(0)

    @pl.when(i == 0)
    def _():
        sums[...] = jnp.zeros_like(sums)
        cnts[...] = jnp.zeros_like(cnts)

    dis = _dis_of(degp_ref[...])
    accv = p_ref[0] + p_ref[1] + y_ref[...]
    t = jnp.maximum(accv * dis + b_ref[...], 0.0)
    mu = jnp.mean(t, axis=-1, keepdims=True)
    var = jnp.mean((t - mu) ** 2, axis=-1, keepdims=True)
    h = (t - mu) / jnp.sqrt(var + 1e-5) * g_ref[...] + be_ref[...]

    bb = bat_ref[0]
    gid = lax.broadcasted_iota(jnp.int32, (NUM_GRAPHS, bb.shape[1]), 0)
    oh = (gid == bb).astype(jnp.float32)
    sums[...] += jnp.dot(oh, h, preferred_element_type=jnp.float32)
    cnts[...] += jnp.broadcast_to(
        jnp.sum(oh, axis=1, keepdims=True), (NUM_GRAPHS, D)
    )

    @pl.when(i == pl.num_programs(0) - 1)
    def _():
        pooled = sums[...] / jnp.maximum(cnts[...], 1.0)
        logits = (
            jnp.dot(pooled, pw_ref[...], preferred_element_type=jnp.float32)
            + pb_ref[...]
        )
        o_ref[...] = jax.nn.sigmoid(logits)


_R = 2528

_enc = pl.pallas_call(
    _enc_body,
    grid=(10,),
    in_specs=[
        pl.BlockSpec((1000, D), lambda i: (i, 0)),
        pl.BlockSpec((D, D), lambda i: (0, 0)),
        pl.BlockSpec((1, D), lambda i: (0, 0)),
    ],
    out_specs=pl.BlockSpec((1000, D), lambda i: (i, 0)),
    out_shape=jax.ShapeDtypeStruct((N_NODES, D), jnp.float32),
)

_pre = pl.pallas_call(
    _pre_body,
    grid=(NP // _R,),
    in_specs=[
        pl.BlockSpec((_R, D), lambda i: (i, 0)),
        pl.BlockSpec((D, D), lambda i: (0, 0)),
        pl.BlockSpec((NC, _R, 16), lambda i: (0, i, 0)),
    ],
    out_specs=pl.BlockSpec((_R, D), lambda i: (i, 0)),
    out_shape=jax.ShapeDtypeStruct((NP, D), jnp.float32),
)

_postpre = pl.pallas_call(
    _postpre_body,
    grid=(NP // _R,),
    in_specs=[
        pl.BlockSpec((NC, _R, D), lambda i: (0, i, 0)),
        pl.BlockSpec((_R, D), lambda i: (i, 0)),
        pl.BlockSpec((NC, _R, 16), lambda i: (0, i, 0)),
        pl.BlockSpec((1, D), lambda i: (0, 0)),
        pl.BlockSpec((1, D), lambda i: (0, 0)),
        pl.BlockSpec((1, D), lambda i: (0, 0)),
        pl.BlockSpec((D, D), lambda i: (0, 0)),
    ],
    out_specs=pl.BlockSpec((_R, D), lambda i: (i, 0)),
    out_shape=jax.ShapeDtypeStruct((NP, D), jnp.float32),
)

_RB = 1000

_final = pl.pallas_call(
    _final_body,
    grid=(N_NODES // _RB,),
    in_specs=[
        pl.BlockSpec((NC, _RB, D), lambda i: (0, i, 0)),
        pl.BlockSpec((_RB, D), lambda i: (i, 0)),
        pl.BlockSpec((NC, _RB, 16), lambda i: (0, i, 0)),
        pl.BlockSpec((1, D), lambda i: (0, 0)),
        pl.BlockSpec((1, D), lambda i: (0, 0)),
        pl.BlockSpec((1, D), lambda i: (0, 0)),
        pl.BlockSpec((1, 1, _RB), lambda i: (i, 0, 0)),
        pl.BlockSpec((D, D), lambda i: (0, 0)),
        pl.BlockSpec((1, D), lambda i: (0, 0)),
    ],
    out_specs=pl.BlockSpec((NUM_GRAPHS, D), lambda i: (0, 0)),
    out_shape=jax.ShapeDtypeStruct((NUM_GRAPHS, D), jnp.float32),
    scratch_shapes=[
        pltpu.VMEM((NUM_GRAPHS, D), jnp.float32),
        pltpu.VMEM((NUM_GRAPHS, D), jnp.float32),
    ],
)


def kernel(x, edge_index, batch, enc_W, enc_b, W1, b1, g1, be1,
           W2, b2, g2, be2, W3, b3, g3, be3, pred_W, pred_b):
    src = edge_index[0].astype(jnp.int32)
    dst = edge_index[1].astype(jnp.int32)
    pad = jnp.full((E_PAD - N_EDGES,), DUMMY, jnp.int32)
    src_p = jnp.concatenate([src, pad]).reshape(NTILES, CPT, CH)
    dst_p = jnp.concatenate([dst, pad]).reshape(NTILES, CPT, CH)
    zrows = jnp.zeros((ZR, D), jnp.float32)
    z16 = jnp.zeros((ZR, 16), jnp.float32)
    ones16 = jnp.ones((CH, 16), jnp.float32)

    _edge_scatter, _deg_scatter = _sc_kernels()
    degp = _deg_scatter(dst_p, z16, ones16)
    h = _enc(x, enc_W, enc_b.reshape(1, D))
    hp = jnp.pad(h, ((0, NP - N_NODES), (0, 0)))

    y = _pre(hp, W1, degp)
    P = _edge_scatter(y, src_p, dst_p, zrows)
    y = _postpre(P, y, degp, b1.reshape(1, D), g1.reshape(1, D),
                 be1.reshape(1, D), W2)
    P = _edge_scatter(y, src_p, dst_p, zrows)
    y = _postpre(P, y, degp, b2.reshape(1, D), g2.reshape(1, D),
                 be2.reshape(1, D), W3)
    P = _edge_scatter(y, src_p, dst_p, zrows)

    pWp = jnp.zeros((D, D), jnp.float32).at[:, :2].set(pred_W)
    pbp = jnp.zeros((1, D), jnp.float32).at[0, :2].set(pred_b)
    batp = batch.astype(jnp.int32).reshape(N_NODES // _RB, 1, _RB)
    probs = _final(P[:, :N_NODES], y[:N_NODES], degp[:, :N_NODES],
                   b3.reshape(1, D), g3.reshape(1, D), be3.reshape(1, D),
                   batp, pWp, pbp)
    return probs[:, :2]

# --- scband reference (transcript-rebuilt; emitter-appended) ---
"""Pipeline reference for scband-gnn-85306640433389 (READ-ONLY COPY).

The authoritative reference and input builder live on the scoring server;
editing this copy changes nothing except your own understanding.
"""

import jax, jax.numpy as jnp
import numpy as np

N_NODES = 10000
N_EDGES = 320000
D_FEAT = 128
HIDDEN = 128
NUM_CLASSES = 2
NUM_GRAPHS = 16

def _glorot(key, shape):
    lim = float(np.sqrt(6.0 / (shape[0] + shape[1])))
    return jax.random.uniform(key, shape, jnp.float32, -lim, lim)

def setup_inputs(seed: int = 0):
    key = jax.random.key(seed)
    ks = jax.random.split(key, 24)
    inp = {}
    inp["x"] = jax.random.normal(ks[0], (N_NODES, D_FEAT), dtype=jnp.float32)
    inp["edge_index"] = jax.random.randint(ks[1], (2, N_EDGES), 0, N_NODES)
    inp["batch"] = jnp.sort(jax.random.randint(ks[2], (N_NODES,), 0, NUM_GRAPHS))
    inp["enc_W"] = _glorot(ks[3], (D_FEAT, HIDDEN))
    inp["enc_b"] = jnp.zeros((HIDDEN,), jnp.float32)
    for i in range(3):
        inp["W%d" % (i + 1)] = _glorot(ks[4 + i], (HIDDEN, HIDDEN))
        inp["b%d" % (i + 1)] = jnp.zeros((HIDDEN,), jnp.float32)
        inp["g%d" % (i + 1)] = jnp.ones((HIDDEN,), jnp.float32)
        inp["be%d" % (i + 1)] = jnp.zeros((HIDDEN,), jnp.float32)
    inp["pred_W"] = _glorot(ks[10], (HIDDEN, NUM_CLASSES))
    inp["pred_b"] = jnp.zeros((NUM_CLASSES,), jnp.float32)
    return inp

def _gcn_conv(x, src, dst, W, b):
    # GCNConv: x' = D^{-1/2} (A + I) D^{-1/2} X W + b
    n = x.shape[0]
    loop = jnp.arange(n, dtype=src.dtype)
    s = jnp.concatenate([src, loop])
    d = jnp.concatenate([dst, loop])
    deg = jax.ops.segment_sum(jnp.ones_like(d, dtype=jnp.float32), d, num_segments=n)
    dis = jnp.where(deg > 0, 1.0 / jnp.sqrt(jnp.maximum(deg, 1e-12)), 0.0)
    norm = dis[s] * dis[d]
    xw = x @ W
    msgs = xw[s] * norm[:, None]
    return jax.ops.segment_sum(msgs, d, num_segments=n) + b

def _layer_norm(x, g, b):
    mu = jnp.mean(x, axis=-1, keepdims=True)
    var = jnp.var(x, axis=-1, keepdims=True)
    return (x - mu) / jnp.sqrt(var + 1e-5) * g + b

def reference(x, edge_index, batch, enc_W, enc_b, W1, b1, g1, be1, W2, b2, g2, be2, W3, b3, g3, be3, pred_W, pred_b):
    src, dst = edge_index[0], edge_index[1]
    # input encoder: Linear + ELU
    h = jax.nn.elu(x @ enc_W + enc_b)
    # 3 x (GCNConv -> ReLU -> LayerNorm); dropout is identity in eval mode
    for (W, b, g, be) in ((W1, b1, g1, be1), (W2, b2, g2, be2), (W3, b3, g3, be3)):
        h = _gcn_conv(h, src, dst, W, b)
        h = jax.nn.relu(h)
        h = _layer_norm(h, g, be)
    sums = jax.ops.segment_sum(h, batch, num_segments=NUM_GRAPHS)
    cnts = jax.ops.segment_sum(jnp.ones((h.shape[0],), jnp.float32), batch, num_segments=NUM_GRAPHS)
    pooled = sums / jnp.maximum(cnts, 1.0)[:, None]
    logits = pooled @ pred_W + pred_b
    return jax.nn.sigmoid(logits)

if __name__ == "__main__":
    import jax
    _d = setup_inputs()
    print(jax.jit(kernel)(*tuple(_d.values())))

</pallas_src>

<mosaic_0001>
#map = affine_map<(d0, d1) -> (0, 0)>
#map1 = affine_map<(d0, d1) -> (0, 0, 0)>
module attributes {stable_mosaic.version = 14 : i64} {
  func.func @_edge_scatter(%arg0: i32, %arg1: i32, %arg2: memref<10112x128xf32, #tpu.memory_space<hbm>>, %arg3: memref<32x79x128xi32, #tpu.memory_space<hbm>>, %arg4: memref<32x79x128xi32, #tpu.memory_space<hbm>>, %arg5: memref<632x128xf32, #tpu.memory_space<hbm>>, %arg6: memref<2x10112x128xf32, #tpu.memory_space<hbm>>, %arg7: memref<79x128xi32, #tpu.memory_space<vmem>>, %arg8: memref<79x128xi32, #tpu.memory_space<vmem>>, %arg9: memref<128x128xf32, #tpu.memory_space<vmem>>, %arg10: memref<10112x128xf32, #tpu.memory_space<vmem_shared>>, %arg11: memref<!tpu.dma_semaphore, #tpu.memory_space<semaphore_mem>>) attributes {dimension_semantics = [#tpu.dimension_semantics<core_parallel>, #tpu.dimension_semantics<subcore_parallel>], iteration_bounds = array<i64: 2, 16>, scalar_prefetch = 0 : i64, scratch_operands = 5 : i64, tpu.core_type = #tpu.core_type<sc_vector_subcore>, window_params = [{transform_indices = #map}, {transform_indices = #map1}, {transform_indices = #map1}, {transform_indices = #map}, {transform_indices = #map1}]} {
    %mul3A = arith.constant 16 : i32
    %mul3A_0 = arith.muli %arg0, %mul3A : i32
    %add3A = arith.addi %mul3A_0, %arg1 : i32
    %mul3A_1 = arith.constant 632 : i32
    %mul3A_2 = arith.muli %arg1, %mul3A_1 : i32
    "tpu.region"() ({
      %run_scoped3A = tpu.sem_alloc : memref<!tpu.dma_semaphore, #tpu.memory_space<semaphore_mem>>
      %dma_start3A = arith.constant 0 : i32
      %dma_start3A_9 = tpu.memref_slice %arg10[%mul3A_2, %dma_start3A] : memref<10112x128xf32, #tpu.memory_space<vmem_shared>> -> memref<632x128xf32, #tpu.memory_space<vmem_shared>>
      tpu.enqueue_dma source(%arg5 : memref<632x128xf32, #tpu.memory_space<hbm>>) target(%dma_start3A_9 : memref<632x128xf32, #tpu.memory_space<vmem_shared>>) target_semaphore(%run_scoped3A : memref<!tpu.dma_semaphore, #tpu.memory_space<semaphore_mem>>)
      %dma_wait3A = arith.constant 0 : i32
      %dma_wait3A_10 = tpu.memref_slice %arg10[%mul3A_2, %dma_wait3A] : memref<10112x128xf32, #tpu.memory_space<vmem_shared>> -> memref<632x128xf32, #tpu.memory_space<vmem_shared>>
      tpu.wait_dma2 semaphore(%run_scoped3A : memref<!tpu.dma_semaphore, #tpu.memory_space<semaphore_mem>>) src(%arg5 : memref<632x128xf32, #tpu.memory_space<hbm>>) dst(%dma_wait3A_10 : memref<632x128xf32, #tpu.memory_space<vmem_shared>>)
      tpu.yield
    }) : () -> ()
    "tpu.region"() ({
      %run_scoped3A = tpu.sem_alloc : memref<!tpu.dma_semaphore, #tpu.memory_space<semaphore_mem>>
      %dma_start3A = arith.constant 0 : i32
      %dma_start3A_9 = arith.constant 0 : i32
      %dma_start3A_10 = tpu.memref_slice %arg3[%add3A, %dma_start3A, %dma_start3A_9] : memref<32x79x128xi32, #tpu.memory_space<hbm>> -> memref<1x79x128xi32, #tpu.memory_space<hbm>>
      %dma_start3A_11 = tpu.memref_squeeze %dma_start3A_10 : memref<1x79x128xi32, #tpu.memory_space<hbm>> -> memref<79x128xi32, #tpu.memory_space<hbm>>
      %dma_start3A_12 = arith.constant 0 : i32
      %dma_start3A_13 = arith.constant 0 : i32
      %dma_start3A_14 = tpu.memref_slice %arg3[%add3A, %dma_start3A_12, %dma_start3A_13] : memref<32x79x128xi32, #tpu.memory_space<hbm>> -> memref<1x79x128xi32, #tpu.memory_space<hbm>>
      %dma_start3A_15 = tpu.memref_squeeze %dma_start3A_14 : memref<1x79x128xi32, #tpu.memory_space<hbm>> -> memref<79x128xi32, #tpu.memory_space<hbm>>
      tpu.enqueue_dma source(%dma_start3A_15 : memref<79x128xi32, #tpu.memory_space<hbm>>) target(%arg7 : memref<79x128xi32, #tpu.memory_space<vmem>>) target_semaphore(%run_scoped3A : memref<!tpu.dma_semaphore, #tpu.memory_space<semaphore_mem>>)
      %dma_wait3A = arith.constant 0 : i32
      %dma_wait3A_16 = arith.constant 0 : i32
      %dma_wait3A_17 = tpu.memref_slice %arg3[%add3A, %dma_wait3A, %dma_wait3A_16] : memref<32x79x128xi32, #tpu.memory_space<hbm>> -> memref<1x79x128xi32, #tpu.memory_space<hbm>>
      %dma_wait3A_18 = tpu.memref_squeeze %dma_wait3A_17 : memref<1x79x128xi32, #tpu.memory_space<hbm>> -> memref<79x128xi32, #tpu.memory_space<hbm>>
      %dma_wait3A_19 = arith.constant 0 : i32
      %dma_wait3A_20 = arith.constant 0 : i32
      %dma_wait3A_21 = tpu.memref_slice %arg3[%add3A, %dma_wait3A_19, %dma_wait3A_20] : memref<32x79x128xi32, #tpu.memory_space<hbm>> -> memref<1x79x128xi32, #tpu.memory_space<hbm>>
      %dma_wait3A_22 = tpu.memref_squeeze %dma_wait3A_21 : memref<1x79x128xi32, #tpu.memory_space<hbm>> -> memref<79x128xi32, #tpu.memory_space<hbm>>
      tpu.wait_dma2 semaphore(%run_scoped3A : memref<!tpu.dma_semaphore, #tpu.memory_space<semaphore_mem>>) src(%dma_wait3A_22 : memref<79x128xi32, #tpu.memory_space<hbm>>) dst(%arg7 : memref<79x128xi32, #tpu.memory_space<vmem>>)
      tpu.yield
    }) : () -> ()
    "tpu.region"() ({
      %run_scoped3A = tpu.sem_alloc : memref<!tpu.dma_semaphore, #tpu.memory_space<semaphore_mem>>
      %dma_start3A = arith.constant 0 : i32
      %dma_start3A_9 = arith.constant 0 : i32
      %dma_start3A_10 = tpu.memref_slice %arg4[%add3A, %dma_start3A, %dma_start3A_9] : memref<32x79x128xi32, #tpu.memory_space<hbm>> -> memref<1x79x128xi32, #tpu.memory_space<hbm>>
      %dma_start3A_11 = tpu.memref_squeeze %dma_start3A_10 : memref<1x79x128xi32, #tpu.memory_space<hbm>> -> memref<79x128xi32, #tpu.memory_space<hbm>>
      %dma_start3A_12 = arith.constant 0 : i32
      %dma_start3A_13 = arith.constant 0 : i32
      %dma_start3A_14 = tpu.memref_slice %arg4[%add3A, %dma_start3A_12, %dma_start3A_13] : memref<32x79x128xi32, #tpu.memory_space<hbm>> -> memref<1x79x128xi32, #tpu.memory_space<hbm>>
      %dma_start3A_15 = tpu.memref_squeeze %dma_start3A_14 : memref<1x79x128xi32, #tpu.memory_space<hbm>> -> memref<79x128xi32, #tpu.memory_space<hbm>>
      tpu.enqueue_dma source(%dma_start3A_15 : memref<79x128xi32, #tpu.memory_space<hbm>>) target(%arg8 : memref<79x128xi32, #tpu.memory_space<vmem>>) target_semaphore(%run_scoped3A : memref<!tpu.dma_semaphore, #tpu.memory_space<semaphore_mem>>)
      %dma_wait3A = arith.constant 0 : i32
      %dma_wait3A_16 = arith.constant 0 : i32
      %dma_wait3A_17 = tpu.memref_slice %arg4[%add3A, %dma_wait3A, %dma_wait3A_16] : memref<32x79x128xi32, #tpu.memory_space<hbm>> -> memref<1x79x128xi32, #tpu.memory_space<hbm>>
      %dma_wait3A_18 = tpu.memref_squeeze %dma_wait3A_17 : memref<1x79x128xi32, #tpu.memory_space<hbm>> -> memref<79x128xi32, #tpu.memory_space<hbm>>
      %dma_wait3A_19 = arith.constant 0 : i32
      %dma_wait3A_20 = arith.constant 0 : i32
      %dma_wait3A_21 = tpu.memref_slice %arg4[%add3A, %dma_wait3A_19, %dma_wait3A_20] : memref<32x79x128xi32, #tpu.memory_space<hbm>> -> memref<1x79x128xi32, #tpu.memory_space<hbm>>
      %dma_wait3A_22 = tpu.memref_squeeze %dma_wait3A_21 : memref<1x79x128xi32, #tpu.memory_space<hbm>> -> memref<79x128xi32, #tpu.memory_space<hbm>>
      tpu.wait_dma2 semaphore(%run_scoped3A : memref<!tpu.dma_semaphore, #tpu.memory_space<semaphore_mem>>) src(%dma_wait3A_22 : memref<79x128xi32, #tpu.memory_space<hbm>>) dst(%arg8 : memref<79x128xi32, #tpu.memory_space<vmem>>)
      tpu.yield
    }) : () -> ()
    %barrier3A = arith.constant 0 : index
    tpu.barrier barrier_id(%barrier3A)
    %scan3A = arith.constant 0 : i32
    %scan3A_3 = arith.constant 0 : i32
    %scan3A_4 = arith.constant 79 : i32
    %scan3A_5 = arith.addi %scan3A_3, %scan3A_4 : i32
    %scan3A_6 = arith.constant 1 : i32
    scf.for %scan3A_9 = %scan3A_3 to %scan3A_5 step %scan3A_6  : i32 {
      %dma_start3A = arith.constant 0 : i32
      %dma_start3A_10 = tpu.memref_slice %arg7[%scan3A_9, %dma_start3A] : memref<79x128xi32, #tpu.memory_space<vmem>> -> memref<1x128xi32, #tpu.memory_space<vmem>>
      %dma_start3A_11 = tpu.memref_squeeze %dma_start3A_10 : memref<1x128xi32, #tpu.memory_space<vmem>> -> memref<128xi32, #tpu.memory_space<vmem>>
      %dma_start3A_12 = arith.constant 0 : i32
      %dma_start3A_13 = arith.constant 0 : i32
      %dma_start3A_14 = tpu.memref_slice %arg2[%dma_start3A_12, %dma_start3A_13] : memref<10112x128xf32, #tpu.memory_space<hbm>> -> memref<10112x128xf32, #tpu.memory_space<hbm>>
      tpu.enqueue_indirect_dma source(%dma_start3A_14 : memref<10112x128xf32, #tpu.memory_space<hbm>>) target(%arg9 : memref<128x128xf32, #tpu.memory_space<vmem>>) offsets(%dma_start3A_11 : memref<128xi32, #tpu.memory_space<vmem>>) semaphore(%arg11 : memref<!tpu.dma_semaphore, #tpu.memory_space<semaphore_mem>>)
      %dma_wait3A = arith.constant 0 : i32
      %dma_wait3A_15 = tpu.memref_slice %arg7[%scan3A_9, %dma_wait3A] : memref<79x128xi32, #tpu.memory_space<vmem>> -> memref<1x128xi32, #tpu.memory_space<vmem>>
      %dma_wait3A_16 = tpu.memref_squeeze %dma_wait3A_15 : memref<1x128xi32, #tpu.memory_space<vmem>> -> memref<128xi32, #tpu.memory_space<vmem>>
      %dma_wait3A_17 = arith.constant 0 : i32
      %dma_wait3A_18 = arith.constant 0 : i32
      %dma_wait3A_19 = tpu.memref_slice %arg2[%dma_wait3A_17, %dma_wait3A_18] : memref<10112x128xf32, #tpu.memory_space<hbm>> -> memref<10112x128xf32, #tpu.memory_space<hbm>>
      tpu.wait_indirect_dma semaphore(%arg11 : memref<!tpu.dma_semaphore, #tpu.memory_space<semaphore_mem>>) src(%dma_wait3A_19 : memref<10112x128xf32, #tpu.memory_space<hbm>>) dst(%arg9 : memref<128x128xf32, #tpu.memory_space<vmem>>)
      "tpu.region"() ({
        %run_scoped3A = tpu.sem_alloc : memref<!tpu.dma_semaphore, #tpu.memory_space<semaphore_mem>>
        %dma_start3A_20 = arith.constant 0 : i32
        %dma_start3A_21 = tpu.memref_slice %arg8[%scan3A_9, %dma_start3A_20] : memref<79x128xi32, #tpu.memory_space<vmem>> -> memref<1x128xi32, #tpu.memory_space<vmem>>
        %dma_start3A_22 = tpu.memref_squeeze %dma_start3A_21 : memref<1x128xi32, #tpu.memory_space<vmem>> -> memref<128xi32, #tpu.memory_space<vmem>>
        %dma_start3A_23 = arith.constant 0 : i32
        %dma_start3A_24 = arith.constant 0 : i32
        %dma_start3A_25 = tpu.memref_slice %arg10[%dma_start3A_23, %dma_start3A_24] : memref<10112x128xf32, #tpu.memory_space<vmem_shared>> -> memref<10112x128xf32, #tpu.memory_space<vmem_shared>>
        tpu.enqueue_indirect_dma source(%arg9 : memref<128x128xf32, #tpu.memory_space<vmem>>) target(%dma_start3A_25 : memref<10112x128xf32, #tpu.memory_space<vmem_shared>>) offsets(%dma_start3A_22 : memref<128xi32, #tpu.memory_space<vmem>>) semaphore(%run_scoped3A : memref<!tpu.dma_semaphore, #tpu.memory_space<semaphore_mem>>) {add = true}
        %dma_wait3A_26 = arith.constant 0 : i32
        %dma_wait3A_27 = tpu.memref_slice %arg8[%scan3A_9, %dma_wait3A_26] : memref<79x128xi32, #tpu.memory_space<vmem>> -> memref<1x128xi32, #tpu.memory_space<vmem>>
        %dma_wait3A_28 = tpu.memref_squeeze %dma_wait3A_27 : memref<1x128xi32, #tpu.memory_space<vmem>> -> memref<128xi32, #tpu.memory_space<vmem>>
        %dma_wait3A_29 = arith.constant 0 : i32
        %dma_wait3A_30 = arith.constant 0 : i32
        %dma_wait3A_31 = tpu.memref_slice %arg10[%dma_wait3A_29, %dma_wait3A_30] : memref<10112x128xf32, #tpu.memory_space<vmem_shared>> -> memref<10112x128xf32, #tpu.memory_space<vmem_shared>>
        tpu.wait_indirect_dma semaphore(%run_scoped3A : memref<!tpu.dma_semaphore, #tpu.memory_space<semaphore_mem>>) src(%arg9 : memref<128x128xf32, #tpu.memory_space<vmem>>) dst(%dma_wait3A_31 : memref<10112x128xf32, #tpu.memory_space<vmem_shared>>)
        tpu.yield
      }) : () -> ()
    }
    %scan3A_7 = arith.constant 79 : i32
    %barrier3A_8 = arith.constant 0 : index
    tpu.barrier barrier_id(%barrier3A_8)
    "tpu.region"() ({
      %run_scoped3A = tpu.sem_alloc : memref<!tpu.dma_semaphore, #tpu.memory_space<semaphore_mem>>
      %dma_start3A = arith.constant 0 : i32
      %dma_start3A_9 = tpu.memref_slice %arg6[%arg0, %mul3A_2, %dma_start3A] : memref<2x10112x128xf32, #tpu.memory_space<hbm>> -> memref<1x632x128xf32, #tpu.memory_space<hbm>>
      %dma_start3A_10 = tpu.memref_squeeze %dma_start3A_9 : memref<1x632x128xf32, #tpu.memory_space<hbm>> -> memref<632x128xf32, #tpu.memory_space<hbm>>
      %dma_start3A_11 = arith.constant 0 : i32
      %dma_start3A_12 = tpu.memref_slice %arg10[%mul3A_2, %dma_start3A_11] : memref<10112x128xf32, #tpu.memory_space<vmem_shared>> -> memref<632x128xf32, #tpu.memory_space<vmem_shared>>
      tpu.enqueue_dma source(%dma_start3A_12 : memref<632x128xf32, #tpu.memory_space<vmem_shared>>) target(%dma_start3A_10 : memref<632x128xf32, #tpu.memory_space<hbm>>) target_semaphore(%run_scoped3A : memref<!tpu.dma_semaphore, #tpu.memory_space<semaphore_mem>>)
      %dma_wait3A = arith.constant 0 : i32
      %dma_wait3A_13 = tpu.memref_slice %arg6[%arg0, %mul3A_2, %dma_wait3A] : memref<2x10112x128xf32, #tpu.memory_space<hbm>> -> memref<1x632x128xf32, #tpu.memory_space<hbm>>
      %dma_wait3A_14 = tpu.memref_squeeze %dma_wait3A_13 : memref<1x632x128xf32, #tpu.memory_space<hbm>> -> memref<632x128xf32, #tpu.memory_space<hbm>>
      %dma_wait3A_15 = arith.constant 0 : i32
      %dma_wait3A_16 = tpu.memref_slice %arg10[%mul3A_2, %dma_wait3A_15] : memref<10112x128xf32, #tpu.memory_space<vmem_shared>> -> memref<632x128xf32, #tpu.memory_space<vmem_shared>>
      tpu.wait_dma2 semaphore(%run_scoped3A : memref<!tpu.dma_semaphore, #tpu.memory_space<semaphore_mem>>) src(%dma_wait3A_16 : memref<632x128xf32, #tpu.memory_space<vmem_shared>>) dst(%dma_wait3A_14 : memref<632x128xf32, #tpu.memory_space<hbm>>)
      tpu.yield
    }) : () -> ()
    return
  }
}

#map = affine_map<(d0, d1) -> (0, 0, 0)>
#map1 = affine_map<(d0, d1) -> (0, 0)>
module attributes {stable_mosaic.version = 14 : i64} {
  func.func @_deg_scatter(%arg0: i32, %arg1: i32, %arg2: memref<32x79x128xi32, #tpu.memory_space<hbm>>, %arg3: memref<632x16xf32, #tpu.memory_space<hbm>>, %arg4: memref<128x16xf32, #tpu.memory_space<hbm>>, %arg5: memref<2x10112x16xf32, #tpu.memory_space<hbm>>, %arg6: memref<79x128xi32, #tpu.memory_space<vmem>>, %arg7: memref<128x16xf32, #tpu.memory_space<vmem>>, %arg8: memref<10112x16xf32, #tpu.memory_space<vmem_shared>>) attributes {dimension_semantics = [#tpu.dimension_semantics<core_parallel>, #tpu.dimension_semantics<subcore_parallel>], iteration_bounds = array<i64: 2, 16>, scalar_prefetch = 0 : i64, scratch_operands = 3 : i64, tpu.core_type = #tpu.core_type<sc_vector_subcore>, window_params = [{transform_indices = #map}, {transform_indices = #map1}, {transform_indices = #map1}, {transform_indices = #map}]} {
    %mul3A = arith.constant 16 : i32
    %mul3A_0 = arith.muli %arg0, %mul3A : i32
    %add3A = arith.addi %mul3A_0, %arg1 : i32
    %mul3A_1 = arith.constant 632 : i32
    %mul3A_2 = arith.muli %arg1, %mul3A_1 : i32
    "tpu.region"() ({
      %run_scoped3A = tpu.sem_alloc : memref<!tpu.dma_semaphore, #tpu.memory_space<semaphore_mem>>
      %dma_start3A = arith.constant 0 : i32
      %dma_start3A_9 = tpu.memref_slice %arg8[%mul3A_2, %dma_start3A] : memref<10112x16xf32, #tpu.memory_space<vmem_shared>> -> memref<632x16xf32, #tpu.memory_space<vmem_shared>>
      tpu.enqueue_dma source(%arg3 : memref<632x16xf32, #tpu.memory_space<hbm>>) target(%dma_start3A_9 : memref<632x16xf32, #tpu.memory_space<vmem_shared>>) target_semaphore(%run_scoped3A : memref<!tpu.dma_semaphore, #tpu.memory_space<semaphore_mem>>)
      %dma_wait3A = arith.constant 0 : i32
      %dma_wait3A_10 = tpu.memref_slice %arg8[%mul3A_2, %dma_wait3A] : memref<10112x16xf32, #tpu.memory_space<vmem_shared>> -> memref<632x16xf32, #tpu.memory_space<vmem_shared>>
      tpu.wait_dma2 semaphore(%run_scoped3A : memref<!tpu.dma_semaphore, #tpu.memory_space<semaphore_mem>>) src(%arg3 : memref<632x16xf32, #tpu.memory_space<hbm>>) dst(%dma_wait3A_10 : memref<632x16xf32, #tpu.memory_space<vmem_shared>>)
      tpu.yield
    }) : () -> ()
    "tpu.region"() ({
      %run_scoped3A = tpu.sem_alloc : memref<!tpu.dma_semaphore, #tpu.memory_space<semaphore_mem>>
      %dma_start3A = arith.constant 0 : i32
      %dma_start3A_9 = arith.constant 0 : i32
      %dma_start3A_10 = tpu.memref_slice %arg2[%add3A, %dma_start3A, %dma_start3A_9] : memref<32x79x128xi32, #tpu.memory_space<hbm>> -> memref<1x79x128xi32, #tpu.memory_space<hbm>>
      %dma_start3A_11 = tpu.memref_squeeze %dma_start3A_10 : memref<1x79x128xi32, #tpu.memory_space<hbm>> -> memref<79x128xi32, #tpu.memory_space<hbm>>
      %dma_start3A_12 = arith.constant 0 : i32
      %dma_start3A_13 = arith.constant 0 : i32
      %dma_start3A_14 = tpu.memref_slice %arg2[%add3A, %dma_start3A_12, %dma_start3A_13] : memref<32x79x128xi32, #tpu.memory_space<hbm>> -> memref<1x79x128xi32, #tpu.memory_space<hbm>>
      %dma_start3A_15 = tpu.memref_squeeze %dma_start3A_14 : memref<1x79x128xi32, #tpu.memory_space<hbm>> -> memref<79x128xi32, #tpu.memory_space<hbm>>
      tpu.enqueue_dma source(%dma_start3A_15 : memref<79x128xi32, #tpu.memory_space<hbm>>) target(%arg6 : memref<79x128xi32, #tpu.memory_space<vmem>>) target_semaphore(%run_scoped3A : memref<!tpu.dma_semaphore, #tpu.memory_space<semaphore_mem>>)
      %dma_wait3A = arith.constant 0 : i32
      %dma_wait3A_16 = arith.constant 0 : i32
      %dma_wait3A_17 = tpu.memref_slice %arg2[%add3A, %dma_wait3A, %dma_wait3A_16] : memref<32x79x128xi32, #tpu.memory_space<hbm>> -> memref<1x79x128xi32, #tpu.memory_space<hbm>>
      %dma_wait3A_18 = tpu.memref_squeeze %dma_wait3A_17 : memref<1x79x128xi32, #tpu.memory_space<hbm>> -> memref<79x128xi32, #tpu.memory_space<hbm>>
      %dma_wait3A_19 = arith.constant 0 : i32
      %dma_wait3A_20 = arith.constant 0 : i32
      %dma_wait3A_21 = tpu.memref_slice %arg2[%add3A, %dma_wait3A_19, %dma_wait3A_20] : memref<32x79x128xi32, #tpu.memory_space<hbm>> -> memref<1x79x128xi32, #tpu.memory_space<hbm>>
      %dma_wait3A_22 = tpu.memref_squeeze %dma_wait3A_21 : memref<1x79x128xi32, #tpu.memory_space<hbm>> -> memref<79x128xi32, #tpu.memory_space<hbm>>
      tpu.wait_dma2 semaphore(%run_scoped3A : memref<!tpu.dma_semaphore, #tpu.memory_space<semaphore_mem>>) src(%dma_wait3A_22 : memref<79x128xi32, #tpu.memory_space<hbm>>) dst(%arg6 : memref<79x128xi32, #tpu.memory_space<vmem>>)
      tpu.yield
    }) : () -> ()
    "tpu.region"() ({
      %run_scoped3A = tpu.sem_alloc : memref<!tpu.dma_semaphore, #tpu.memory_space<semaphore_mem>>
      tpu.enqueue_dma source(%arg4 : memref<128x16xf32, #tpu.memory_space<hbm>>) target(%arg7 : memref<128x16xf32, #tpu.memory_space<vmem>>) target_semaphore(%run_scoped3A : memref<!tpu.dma_semaphore, #tpu.memory_space<semaphore_mem>>)
      tpu.wait_dma2 semaphore(%run_scoped3A : memref<!tpu.dma_semaphore, #tpu.memory_space<semaphore_mem>>) src(%arg4 : memref<128x16xf32, #tpu.memory_space<hbm>>) dst(%arg7 : memref<128x16xf32, #tpu.memory_space<vmem>>)
      tpu.yield
    }) : () -> ()
    %barrier3A = arith.constant 0 : index
    tpu.barrier barrier_id(%barrier3A)
    %scan3A = arith.constant 0 : i32
    %scan3A_3 = arith.constant 0 : i32
    %scan3A_4 = arith.constant 79 : i32
    %scan3A_5 = arith.addi %scan3A_3, %scan3A_4 : i32
    %scan3A_6 = arith.constant 1 : i32
    scf.for %scan3A_9 = %scan3A_3 to %scan3A_5 step %scan3A_6  : i32 {
      "tpu.region"() ({
        %run_scoped3A = tpu.sem_alloc : memref<!tpu.dma_semaphore, #tpu.memory_space<semaphore_mem>>
        %dma_start3A = arith.constant 0 : i32
        %dma_start3A_10 = tpu.memref_slice %arg6[%scan3A_9, %dma_start3A] : memref<79x128xi32, #tpu.memory_space<vmem>> -> memref<1x128xi32, #tpu.memory_space<vmem>>
        %dma_start3A_11 = tpu.memref_squeeze %dma_start3A_10 : memref<1x128xi32, #tpu.memory_space<vmem>> -> memref<128xi32, #tpu.memory_space<vmem>>
        %dma_start3A_12 = arith.constant 0 : i32
        %dma_start3A_13 = arith.constant 0 : i32
        %dma_start3A_14 = tpu.memref_slice %arg8[%dma_start3A_12, %dma_start3A_13] : memref<10112x16xf32, #tpu.memory_space<vmem_shared>> -> memref<10112x16xf32, #tpu.memory_space<vmem_shared>>
        tpu.enqueue_indirect_dma source(%arg7 : memref<128x16xf32, #tpu.memory_space<vmem>>) target(%dma_start3A_14 : memref<10112x16xf32, #tpu.memory_space<vmem_shared>>) offsets(%dma_start3A_11 : memref<128xi32, #tpu.memory_space<vmem>>) semaphore(%run_scoped3A : memref<!tpu.dma_semaphore, #tpu.memory_space<semaphore_mem>>) {add = true}
        %dma_wait3A = arith.constant 0 : i32
        %dma_wait3A_15 = tpu.memref_slice %arg6[%scan3A_9, %dma_wait3A] : memref<79x128xi32, #tpu.memory_space<vmem>> -> memref<1x128xi32, #tpu.memory_space<vmem>>
        %dma_wait3A_16 = tpu.memref_squeeze %dma_wait3A_15 : memref<1x128xi32, #tpu.memory_space<vmem>> -> memref<128xi32, #tpu.memory_space<vmem>>
        %dma_wait3A_17 = arith.constant 0 : i32
        %dma_wait3A_18 = arith.constant 0 : i32
        %dma_wait3A_19 = tpu.memref_slice %arg8[%dma_wait3A_17, %dma_wait3A_18] : memref<10112x16xf32, #tpu.memory_space<vmem_shared>> -> memref<10112x16xf32, #tpu.memory_space<vmem_shared>>
        tpu.wait_indirect_dma semaphore(%run_scoped3A : memref<!tpu.dma_semaphore, #tpu.memory_space<semaphore_mem>>) src(%arg7 : memref<128x16xf32, #tpu.memory_space<vmem>>) dst(%dma_wait3A_19 : memref<10112x16xf32, #tpu.memory_space<vmem_shared>>)
        tpu.yield
      }) : () -> ()
    }
    %scan3A_7 = arith.constant 79 : i32
    %barrier3A_8 = arith.constant 0 : index
    tpu.barrier barrier_id(%barrier3A_8)
    "tpu.region"() ({
      %run_scoped3A = tpu.sem_alloc : memref<!tpu.dma_semaphore, #tpu.memory_space<semaphore_mem>>
      %dma_start3A = arith.constant 0 : i32
      %dma_start3A_9 = tpu.memref_slice %arg5[%arg0, %mul3A_2, %dma_start3A] : memref<2x10112x16xf32, #tpu.memory_space<hbm>> -> memref<1x632x16xf32, #tpu.memory_space<hbm>>
      %dma_start3A_10 = tpu.memref_squeeze %dma_start3A_9 : memref<1x632x16xf32, #tpu.memory_space<hbm>> -> memref<632x16xf32, #tpu.memory_space<hbm>>
      %dma_start3A_11 = arith.constant 0 : i32
      %dma_start3A_12 = tpu.memref_slice %arg8[%mul3A_2, %dma_start3A_11] : memref<10112x16xf32, #tpu.memory_space<vmem_shared>> -> memref<632x16xf32, #tpu.memory_space<vmem_shared>>
      tpu.enqueue_dma source(%dma_start3A_12 : memref<632x16xf32, #tpu.memory_space<vmem_shared>>) target(%dma_start3A_10 : memref<632x16xf32, #tpu.memory_space<hbm>>) target_semaphore(%run_scoped3A : memref<!tpu.dma_semaphore, #tpu.memory_space<semaphore_mem>>)
      %dma_wait3A = arith.constant 0 : i32
      %dma_wait3A_13 = tpu.memref_slice %arg5[%arg0, %mul3A_2, %dma_wait3A] : memref<2x10112x16xf32, #tpu.memory_space<hbm>> -> memref<1x632x16xf32, #tpu.memory_space<hbm>>
      %dma_wait3A_14 = tpu.memref_squeeze %dma_wait3A_13 : memref<1x632x16xf32, #tpu.memory_space<hbm>> -> memref<632x16xf32, #tpu.memory_space<hbm>>
      %dma_wait3A_15 = arith.constant 0 : i32
      %dma_wait3A_16 = tpu.memref_slice %arg8[%mul3A_2, %dma_wait3A_15] : memref<10112x16xf32, #tpu.memory_space<vmem_shared>> -> memref<632x16xf32, #tpu.memory_space<vmem_shared>>
      tpu.wait_dma2 semaphore(%run_scoped3A : memref<!tpu.dma_semaphore, #tpu.memory_space<semaphore_mem>>) src(%dma_wait3A_16 : memref<632x16xf32, #tpu.memory_space<vmem_shared>>) dst(%dma_wait3A_14 : memref<632x16xf32, #tpu.memory_space<hbm>>)
      tpu.yield
    }) : () -> ()
    return
  }
}

#map = affine_map<(d0, d1) -> (0, 0)>
#map1 = affine_map<(d0, d1) -> (0, 0, 0)>
module attributes {stable_mosaic.version = 14 : i64} {
  func.func @_edge_scatter(%arg0: i32, %arg1: i32, %arg2: memref<10112x128xf32, #tpu.memory_space<hbm>>, %arg3: memref<32x79x128xi32, #tpu.memory_space<hbm>>, %arg4: memref<32x79x128xi32, #tpu.memory_space<hbm>>, %arg5: memref<632x128xf32, #tpu.memory_space<hbm>>, %arg6: memref<2x10112x128xf32, #tpu.memory_space<hbm>>, %arg7: memref<79x128xi32, #tpu.memory_space<vmem>>, %arg8: memref<79x128xi32, #tpu.memory_space<vmem>>, %arg9: memref<128x128xf32, #tpu.memory_space<vmem>>, %arg10: memref<10112x128xf32, #tpu.memory_space<vmem_shared>>, %arg11: memref<!tpu.dma_semaphore, #tpu.memory_space<semaphore_mem>>) attributes {dimension_semantics = [#tpu.dimension_semantics<core_parallel>, #tpu.dimension_semantics<subcore_parallel>], iteration_bounds = array<i64: 2, 16>, scalar_prefetch = 0 : i64, scratch_operands = 5 : i64, tpu.core_type = #tpu.core_type<sc_vector_subcore>, window_params = [{transform_indices = #map}, {transform_indices = #map1}, {transform_indices = #map1}, {transform_indices = #map}, {transform_indices = #map1}]} {
    %mul3A = arith.constant 16 : i32
    %mul3A_0 = arith.muli %arg0, %mul3A : i32
    %add3A = arith.addi %mul3A_0, %arg1 : i32
    %mul3A_1 = arith.constant 632 : i32
    %mul3A_2 = arith.muli %arg1, %mul3A_1 : i32
    "tpu.region"() ({
      %run_scoped3A = tpu.sem_alloc : memref<!tpu.dma_semaphore, #tpu.memory_space<semaphore_mem>>
      %dma_start3A = arith.constant 0 : i32
      %dma_start3A_9 = tpu.memref_slice %arg10[%mul3A_2, %dma_start3A] : memref<10112x128xf32, #tpu.memory_space<vmem_shared>> -> memref<632x128xf32, #tpu.memory_space<vmem_shared>>
      tpu.enqueue_dma source(%arg5 : memref<632x128xf32, #tpu.memory_space<hbm>>) target(%dma_start3A_9 : memref<632x128xf32, #tpu.memory_space<vmem_shared>>) target_semaphore(%run_scoped3A : memref<!tpu.dma_semaphore, #tpu.memory_space<semaphore_mem>>)
      %dma_wait3A = arith.constant 0 : i32
      %dma_wait3A_10 = tpu.memref_slice %arg10[%mul3A_2, %dma_wait3A] : memref<10112x128xf32, #tpu.memory_space<vmem_shared>> -> memref<632x128xf32, #tpu.memory_space<vmem_shared>>
      tpu.wait_dma2 semaphore(%run_scoped3A : memref<!tpu.dma_semaphore, #tpu.memory_space<semaphore_mem>>) src(%arg5 : memref<632x128xf32, #tpu.memory_space<hbm>>) dst(%dma_wait3A_10 : memref<632x128xf32, #tpu.memory_space<vmem_shared>>)
      tpu.yield
    }) : () -> ()
    "tpu.region"() ({
      %run_scoped3A = tpu.sem_alloc : memref<!tpu.dma_semaphore, #tpu.memory_space<semaphore_mem>>
      %dma_start3A = arith.constant 0 : i32
      %dma_start3A_9 = arith.constant 0 : i32
      %dma_start3A_10 = tpu.memref_slice %arg3[%add3A, %dma_start3A, %dma_start3A_9] : memref<32x79x128xi32, #tpu.memory_space<hbm>> -> memref<1x79x128xi32, #tpu.memory_space<hbm>>
      %dma_start3A_11 = tpu.memref_squeeze %dma_start3A_10 : memref<1x79x128xi32, #tpu.memory_space<hbm>> -> memref<79x128xi32, #tpu.memory_space<hbm>>
      %dma_start3A_12 = arith.constant 0 : i32
      %dma_start3A_13 = arith.constant 0 : i32
      %dma_start3A_14 = tpu.memref_slice %arg3[%add3A, %dma_start3A_12, %dma_start3A_13] : memref<32x79x128xi32, #tpu.memory_space<hbm>> -> memref<1x79x128xi32, #tpu.memory_space<hbm>>
      %dma_start3A_15 = tpu.memref_squeeze %dma_start3A_14 : memref<1x79x128xi32, #tpu.memory_space<hbm>> -> memref<79x128xi32, #tpu.memory_space<hbm>>
      tpu.enqueue_dma source(%dma_start3A_15 : memref<79x128xi32, #tpu.memory_space<hbm>>) target(%arg7 : memref<79x128xi32, #tpu.memory_space<vmem>>) target_semaphore(%run_scoped3A : memref<!tpu.dma_semaphore, #tpu.memory_space<semaphore_mem>>)
      %dma_wait3A = arith.constant 0 : i32
      %dma_wait3A_16 = arith.constant 0 : i32
      %dma_wait3A_17 = tpu.memref_slice %arg3[%add3A, %dma_wait3A, %dma_wait3A_16] : memref<32x79x128xi32, #tpu.memory_space<hbm>> -> memref<1x79x128xi32, #tpu.memory_space<hbm>>
      %dma_wait3A_18 = tpu.memref_squeeze %dma_wait3A_17 : memref<1x79x128xi32, #tpu.memory_space<hbm>> -> memref<79x128xi32, #tpu.memory_space<hbm>>
      %dma_wait3A_19 = arith.constant 0 : i32
      %dma_wait3A_20 = arith.constant 0 : i32
      %dma_wait3A_21 = tpu.memref_slice %arg3[%add3A, %dma_wait3A_19, %dma_wait3A_20] : memref<32x79x128xi32, #tpu.memory_space<hbm>> -> memref<1x79x128xi32, #tpu.memory_space<hbm>>
      %dma_wait3A_22 = tpu.memref_squeeze %dma_wait3A_21 : memref<1x79x128xi32, #tpu.memory_space<hbm>> -> memref<79x128xi32, #tpu.memory_space<hbm>>
      tpu.wait_dma2 semaphore(%run_scoped3A : memref<!tpu.dma_semaphore, #tpu.memory_space<semaphore_mem>>) src(%dma_wait3A_22 : memref<79x128xi32, #tpu.memory_space<hbm>>) dst(%arg7 : memref<79x128xi32, #tpu.memory_space<vmem>>)
      tpu.yield
    }) : () -> ()
    "tpu.region"() ({
      %run_scoped3A = tpu.sem_alloc : memref<!tpu.dma_semaphore, #tpu.memory_space<semaphore_mem>>
      %dma_start3A = arith.constant 0 : i32
      %dma_start3A_9 = arith.constant 0 : i32
      %dma_start3A_10 = tpu.memref_slice %arg4[%add3A, %dma_start3A, %dma_start3A_9] : memref<32x79x128xi32, #tpu.memory_space<hbm>> -> memref<1x79x128xi32, #tpu.memory_space<hbm>>
      %dma_start3A_11 = tpu.memref_squeeze %dma_start3A_10 : memref<1x79x128xi32, #tpu.memory_space<hbm>> -> memref<79x128xi32, #tpu.memory_space<hbm>>
      %dma_start3A_12 = arith.constant 0 : i32
      %dma_start3A_13 = arith.constant 0 : i32
      %dma_start3A_14 = tpu.memref_slice %arg4[%add3A, %dma_start3A_12, %dma_start3A_13] : memref<32x79x128xi32, #tpu.memory_space<hbm>> -> memref<1x79x128xi32, #tpu.memory_space<hbm>>
      %dma_start3A_15 = tpu.memref_squeeze %dma_start3A_14 : memref<1x79x128xi32, #tpu.memory_space<hbm>> -> memref<79x128xi32, #tpu.memory_space<hbm>>
      tpu.enqueue_dma source(%dma_start3A_15 : memref<79x128xi32, #tpu.memory_space<hbm>>) target(%arg8 : memref<79x128xi32, #tpu.memory_space<vmem>>) target_semaphore(%run_scoped3A : memref<!tpu.dma_semaphore, #tpu.memory_space<semaphore_mem>>)
      %dma_wait3A = arith.constant 0 : i32
      %dma_wait3A_16 = arith.constant 0 : i32
      %dma_wait3A_17 = tpu.memref_slice %arg4[%add3A, %dma_wait3A, %dma_wait3A_16] : memref<32x79x128xi32, #tpu.memory_space<hbm>> -> memref<1x79x128xi32, #tpu.memory_space<hbm>>
      %dma_wait3A_18 = tpu.memref_squeeze %dma_wait3A_17 : memref<1x79x128xi32, #tpu.memory_space<hbm>> -> memref<79x128xi32, #tpu.memory_space<hbm>>
      %dma_wait3A_19 = arith.constant 0 : i32
      %dma_wait3A_20 = arith.constant 0 : i32
      %dma_wait3A_21 = tpu.memref_slice %arg4[%add3A, %dma_wait3A_19, %dma_wait3A_20] : memref<32x79x128xi32, #tpu.memory_space<hbm>> -> memref<1x79x128xi32, #tpu.memory_space<hbm>>
      %dma_wait3A_22 = tpu.memref_squeeze %dma_wait3A_21 : memref<1x79x128xi32, #tpu.memory_space<hbm>> -> memref<79x128xi32, #tpu.memory_space<hbm>>
      tpu.wait_dma2 semaphore(%run_scoped3A : memref<!tpu.dma_semaphore, #tpu.memory_space<semaphore_mem>>) src(%dma_wait3A_22 : memref<79x128xi32, #tpu.memory_space<hbm>>) dst(%arg8 : memref<79x128xi32, #tpu.memory_space<vmem>>)
      tpu.yield
    }) : () -> ()
    %barrier3A = arith.constant 0 : index
    tpu.barrier barrier_id(%barrier3A)
    %scan3A = arith.constant 0 : i32
    %scan3A_3 = arith.constant 0 : i32
    %scan3A_4 = arith.constant 79 : i32
    %scan3A_5 = arith.addi %scan3A_3, %scan3A_4 : i32
    %scan3A_6 = arith.constant 1 : i32
    scf.for %scan3A_9 = %scan3A_3 to %scan3A_5 step %scan3A_6  : i32 {
      %dma_start3A = arith.constant 0 : i32
      %dma_start3A_10 = tpu.memref_slice %arg7[%scan3A_9, %dma_start3A] : memref<79x128xi32, #tpu.memory_space<vmem>> -> memref<1x128xi32, #tpu.memory_space<vmem>>
      %dma_start3A_11 = tpu.memref_squeeze %dma_start3A_10 : memref<1x128xi32, #tpu.memory_space<vmem>> -> memref<128xi32, #tpu.memory_space<vmem>>
      %dma_start3A_12 = arith.constant 0 : i32
      %dma_start3A_13 = arith.constant 0 : i32
      %dma_start3A_14 = tpu.memref_slice %arg2[%dma_start3A_12, %dma_start3A_13] : memref<10112x128xf32, #tpu.memory_space<hbm>> -> memref<10112x128xf32, #tpu.memory_space<hbm>>
      tpu.enqueue_indirect_dma source(%dma_start3A_14 : memref<10112x128xf32, #tpu.memory_space<hbm>>) target(%arg9 : memref<128x128xf32, #tpu.memory_space<vmem>>) offsets(%dma_start3A_11 : memref<128xi32, #tpu.memory_space<vmem>>) semaphore(%arg11 : memref<!tpu.dma_semaphore, #tpu.memory_space<semaphore_mem>>)
      %dma_wait3A = arith.constant 0 : i32
      %dma_wait3A_15 = tpu.memref_slice %arg7[%scan3A_9, %dma_wait3A] : memref<79x128xi32, #tpu.memory_space<vmem>> -> memref<1x128xi32, #tpu.memory_space<vmem>>
      %dma_wait3A_16 = tpu.memref_squeeze %dma_wait3A_15 : memref<1x128xi32, #tpu.memory_space<vmem>> -> memref<128xi32, #tpu.memory_space<vmem>>
      %dma_wait3A_17 = arith.constant 0 : i32
      %dma_wait3A_18 = arith.constant 0 : i32
      %dma_wait3A_19 = tpu.memref_slice %arg2[%dma_wait3A_17, %dma_wait3A_18] : memref<10112x128xf32, #tpu.memory_space<hbm>> -> memref<10112x128xf32, #tpu.memory_space<hbm>>
      tpu.wait_indirect_dma semaphore(%arg11 : memref<!tpu.dma_semaphore, #tpu.memory_space<semaphore_mem>>) src(%dma_wait3A_19 : memref<10112x128xf32, #tpu.memory_space<hbm>>) dst(%arg9 : memref<128x128xf32, #tpu.memory_space<vmem>>)
      "tpu.region"() ({
        %run_scoped3A = tpu.sem_alloc : memref<!tpu.dma_semaphore, #tpu.memory_space<semaphore_mem>>
        %dma_start3A_20 = arith.constant 0 : i32
        %dma_start3A_21 = tpu.memref_slice %arg8[%scan3A_9, %dma_start3A_20] : memref<79x128xi32, #tpu.memory_space<vmem>> -> memref<1x128xi32, #tpu.memory_space<vmem>>
        %dma_start3A_22 = tpu.memref_squeeze %dma_start3A_21 : memref<1x128xi32, #tpu.memory_space<vmem>> -> memref<128xi32, #tpu.memory_space<vmem>>
        %dma_start3A_23 = arith.constant 0 : i32
        %dma_start3A_24 = arith.constant 0 : i32
        %dma_start3A_25 = tpu.memref_slice %arg10[%dma_start3A_23, %dma_start3A_24] : memref<10112x128xf32, #tpu.memory_space<vmem_shared>> -> memref<10112x128xf32, #tpu.memory_space<vmem_shared>>
        tpu.enqueue_indirect_dma source(%arg9 : memref<128x128xf32, #tpu.memory_space<vmem>>) target(%dma_start3A_25 : memref<10112x128xf32, #tpu.memory_space<vmem_shared>>) offsets(%dma_start3A_22 : memref<128xi32, #tpu.memory_space<vmem>>) semaphore(%run_scoped3A : memref<!tpu.dma_semaphore, #tpu.memory_space<semaphore_mem>>) {add = true}
        %dma_wait3A_26 = arith.constant 0 : i32
        %dma_wait3A_27 = tpu.memref_slice %arg8[%scan3A_9, %dma_wait3A_26] : memref<79x128xi32, #tpu.memory_space<vmem>> -> memref<1x128xi32, #tpu.memory_space<vmem>>
        %dma_wait3A_28 = tpu.memref_squeeze %dma_wait3A_27 : memref<1x128xi32, #tpu.memory_space<vmem>> -> memref<128xi32, #tpu.memory_space<vmem>>
        %dma_wait3A_29 = arith.constant 0 : i32
        %dma_wait3A_30 = arith.constant 0 : i32
        %dma_wait3A_31 = tpu.memref_slice %arg10[%dma_wait3A_29, %dma_wait3A_30] : memref<10112x128xf32, #tpu.memory_space<vmem_shared>> -> memref<10112x128xf32, #tpu.memory_space<vmem_shared>>
        tpu.wait_indirect_dma semaphore(%run_scoped3A : memref<!tpu.dma_semaphore, #tpu.memory_space<semaphore_mem>>) src(%arg9 : memref<128x128xf32, #tpu.memory_space<vmem>>) dst(%dma_wait3A_31 : memref<10112x128xf32, #tpu.memory_space<vmem_shared>>)
        tpu.yield
      }) : () -> ()
    }
    %scan3A_7 = arith.constant 79 : i32
    %barrier3A_8 = arith.constant 0 : index
    tpu.barrier barrier_id(%barrier3A_8)
    "tpu.region"() ({
      %run_scoped3A = tpu.sem_alloc : memref<!tpu.dma_semaphore, #tpu.memory_space<semaphore_mem>>
      %dma_start3A = arith.constant 0 : i32
      %dma_start3A_9 = tpu.memref_slice %arg6[%arg0, %mul3A_2, %dma_start3A] : memref<2x10112x128xf32, #tpu.memory_space<hbm>> -> memref<1x632x128xf32, #tpu.memory_space<hbm>>
      %dma_start3A_10 = tpu.memref_squeeze %dma_start3A_9 : memref<1x632x128xf32, #tpu.memory_space<hbm>> -> memref<632x128xf32, #tpu.memory_space<hbm>>
      %dma_start3A_11 = arith.constant 0 : i32
      %dma_start3A_12 = tpu.memref_slice %arg10[%mul3A_2, %dma_start3A_11] : memref<10112x128xf32, #tpu.memory_space<vmem_shared>> -> memref<632x128xf32, #tpu.memory_space<vmem_shared>>
      tpu.enqueue_dma source(%dma_start3A_12 : memref<632x128xf32, #tpu.memory_space<vmem_shared>>) target(%dma_start3A_10 : memref<632x128xf32, #tpu.memory_space<hbm>>) target_semaphore(%run_scoped3A : memref<!tpu.dma_semaphore, #tpu.memory_space<semaphore_mem>>)
      %dma_wait3A = arith.constant 0 : i32
      %dma_wait3A_13 = tpu.memref_slice %arg6[%arg0, %mul3A_2, %dma_wait3A] : memref<2x10112x128xf32, #tpu.memory_space<hbm>> -> memref<1x632x128xf32, #tpu.memory_space<hbm>>
      %dma_wait3A_14 = tpu.memref_squeeze %dma_wait3A_13 : memref<1x632x128xf32, #tpu.memory_space<hbm>> -> memref<632x128xf32, #tpu.memory_space<hbm>>
      %dma_wait3A_15 = arith.constant 0 : i32
      %dma_wait3A_16 = tpu.memref_slice %arg10[%mul3A_2, %dma_wait3A_15] : memref<10112x128xf32, #tpu.memory_space<vmem_shared>> -> memref<632x128xf32, #tpu.memory_space<vmem_shared>>
      tpu.wait_dma2 semaphore(%run_scoped3A : memref<!tpu.dma_semaphore, #tpu.memory_space<semaphore_mem>>) src(%dma_wait3A_16 : memref<632x128xf32, #tpu.memory_space<vmem_shared>>) dst(%dma_wait3A_14 : memref<632x128xf32, #tpu.memory_space<hbm>>)
      tpu.yield
    }) : () -> ()
    return
  }
}

#map = affine_map<(d0, d1) -> (0, 0)>
#map1 = affine_map<(d0, d1) -> (0, 0, 0)>
module attributes {stable_mosaic.version = 14 : i64} {
  func.func @_edge_scatter(%arg0: i32, %arg1: i32, %arg2: memref<10112x128xf32, #tpu.memory_space<hbm>>, %arg3: memref<32x79x128xi32, #tpu.memory_space<hbm>>, %arg4: memref<32x79x128xi32, #tpu.memory_space<hbm>>, %arg5: memref<632x128xf32, #tpu.memory_space<hbm>>, %arg6: memref<2x10112x128xf32, #tpu.memory_space<hbm>>, %arg7: memref<79x128xi32, #tpu.memory_space<vmem>>, %arg8: memref<79x128xi32, #tpu.memory_space<vmem>>, %arg9: memref<128x128xf32, #tpu.memory_space<vmem>>, %arg10: memref<10112x128xf32, #tpu.memory_space<vmem_shared>>, %arg11: memref<!tpu.dma_semaphore, #tpu.memory_space<semaphore_mem>>) attributes {dimension_semantics = [#tpu.dimension_semantics<core_parallel>, #tpu.dimension_semantics<subcore_parallel>], iteration_bounds = array<i64: 2, 16>, scalar_prefetch = 0 : i64, scratch_operands = 5 : i64, tpu.core_type = #tpu.core_type<sc_vector_subcore>, window_params = [{transform_indices = #map}, {transform_indices = #map1}, {transform_indices = #map1}, {transform_indices = #map}, {transform_indices = #map1}]} {
    %mul3A = arith.constant 16 : i32
    %mul3A_0 = arith.muli %arg0, %mul3A : i32
    %add3A = arith.addi %mul3A_0, %arg1 : i32
    %mul3A_1 = arith.constant 632 : i32
    %mul3A_2 = arith.muli %arg1, %mul3A_1 : i32
    "tpu.region"() ({
      %run_scoped3A = tpu.sem_alloc : memref<!tpu.dma_semaphore, #tpu.memory_space<semaphore_mem>>
      %dma_start3A = arith.constant 0 : i32
      %dma_start3A_9 = tpu.memref_slice %arg10[%mul3A_2, %dma_start3A] : memref<10112x128xf32, #tpu.memory_space<vmem_shared>> -> memref<632x128xf32, #tpu.memory_space<vmem_shared>>
      tpu.enqueue_dma source(%arg5 : memref<632x128xf32, #tpu.memory_space<hbm>>) target(%dma_start3A_9 : memref<632x128xf32, #tpu.memory_space<vmem_shared>>) target_semaphore(%run_scoped3A : memref<!tpu.dma_semaphore, #tpu.memory_space<semaphore_mem>>)
      %dma_wait3A = arith.constant 0 : i32
      %dma_wait3A_10 = tpu.memref_slice %arg10[%mul3A_2, %dma_wait3A] : memref<10112x128xf32, #tpu.memory_space<vmem_shared>> -> memref<632x128xf32, #tpu.memory_space<vmem_shared>>
      tpu.wait_dma2 semaphore(%run_scoped3A : memref<!tpu.dma_semaphore, #tpu.memory_space<semaphore_mem>>) src(%arg5 : memref<632x128xf32, #tpu.memory_space<hbm>>) dst(%dma_wait3A_10 : memref<632x128xf32, #tpu.memory_space<vmem_shared>>)
      tpu.yield
    }) : () -> ()
    "tpu.region"() ({
      %run_scoped3A = tpu.sem_alloc : memref<!tpu.dma_semaphore, #tpu.memory_space<semaphore_mem>>
      %dma_start3A = arith.constant 0 : i32
      %dma_start3A_9 = arith.constant 0 : i32
      %dma_start3A_10 = tpu.memref_slice %arg3[%add3A, %dma_start3A, %dma_start3A_9] : memref<32x79x128xi32, #tpu.memory_space<hbm>> -> memref<1x79x128xi32, #tpu.memory_space<hbm>>
      %dma_start3A_11 = tpu.memref_squeeze %dma_start3A_10 : memref<1x79x128xi32, #tpu.memory_space<hbm>> -> memref<79x128xi32, #tpu.memory_space<hbm>>
      %dma_start3A_12 = arith.constant 0 : i32
      %dma_start3A_13 = arith.constant 0 : i32
      %dma_start3A_14 = tpu.memref_slice %arg3[%add3A, %dma_start3A_12, %dma_start3A_13] : memref<32x79x128xi32, #tpu.memory_space<hbm>> -> memref<1x79x128xi32, #tpu.memory_space<hbm>>
      %dma_start3A_15 = tpu.memref_squeeze %dma_start3A_14 : memref<1x79x128xi32, #tpu.memory_space<hbm>> -> memref<79x128xi32, #tpu.memory_space<hbm>>
      tpu.enqueue_dma source(%dma_start3A_15 : memref<79x128xi32, #tpu.memory_space<hbm>>) target(%arg7 : memref<79x128xi32, #tpu.memory_space<vmem>>) target_semaphore(%run_scoped3A : memref<!tpu.dma_semaphore, #tpu.memory_space<semaphore_mem>>)
      %dma_wait3A = arith.constant 0 : i32
      %dma_wait3A_16 = arith.constant 0 : i32
      %dma_wait3A_17 = tpu.memref_slice %arg3[%add3A, %dma_wait3A, %dma_wait3A_16] : memref<32x79x128xi32, #tpu.memory_space<hbm>> -> memref<1x79x128xi32, #tpu.memory_space<hbm>>
      %dma_wait3A_18 = tpu.memref_squeeze %dma_wait3A_17 : memref<1x79x128xi32, #tpu.memory_space<hbm>> -> memref<79x128xi32, #tpu.memory_space<hbm>>
      %dma_wait3A_19 = arith.constant 0 : i32
      %dma_wait3A_20 = arith.constant 0 : i32
      %dma_wait3A_21 = tpu.memref_slice %arg3[%add3A, %dma_wait3A_19, %dma_wait3A_20] : memref<32x79x128xi32, #tpu.memory_space<hbm>> -> memref<1x79x128xi32, #tpu.memory_space<hbm>>
      %dma_wait3A_22 = tpu.memref_squeeze %dma_wait3A_21 : memref<1x79x128xi32, #tpu.memory_space<hbm>> -> memref<79x128xi32, #tpu.memory_space<hbm>>
      tpu.wait_dma2 semaphore(%run_scoped3A : memref<!tpu.dma_semaphore, #tpu.memory_space<semaphore_mem>>) src(%dma_wait3A_22 : memref<79x128xi32, #tpu.memory_space<hbm>>) dst(%arg7 : memref<79x128xi32, #tpu.memory_space<vmem>>)
      tpu.yield
    }) : () -> ()
    "tpu.region"() ({
      %run_scoped3A = tpu.sem_alloc : memref<!tpu.dma_semaphore, #tpu.memory_space<semaphore_mem>>
      %dma_start3A = arith.constant 0 : i32
      %dma_start3A_9 = arith.constant 0 : i32
      %dma_start3A_10 = tpu.memref_slice %arg4[%add3A, %dma_start3A, %dma_start3A_9] : memref<32x79x128xi32, #tpu.memory_space<hbm>> -> memref<1x79x128xi32, #tpu.memory_space<hbm>>
      %dma_start3A_11 = tpu.memref_squeeze %dma_start3A_10 : memref<1x79x128xi32, #tpu.memory_space<hbm>> -> memref<79x128xi32, #tpu.memory_space<hbm>>
      %dma_start3A_12 = arith.constant 0 : i32
      %dma_start3A_13 = arith.constant 0 : i32
      %dma_start3A_14 = tpu.memref_slice %arg4[%add3A, %dma_start3A_12, %dma_start3A_13] : memref<32x79x128xi32, #tpu.memory_space<hbm>> -> memref<1x79x128xi32, #tpu.memory_space<hbm>>
      %dma_start3A_15 = tpu.memref_squeeze %dma_start3A_14 : memref<1x79x128xi32, #tpu.memory_space<hbm>> -> memref<79x128xi32, #tpu.memory_space<hbm>>
      tpu.enqueue_dma source(%dma_start3A_15 : memref<79x128xi32, #tpu.memory_space<hbm>>) target(%arg8 : memref<79x128xi32, #tpu.memory_space<vmem>>) target_semaphore(%run_scoped3A : memref<!tpu.dma_semaphore, #tpu.memory_space<semaphore_mem>>)
      %dma_wait3A = arith.constant 0 : i32
      %dma_wait3A_16 = arith.constant 0 : i32
      %dma_wait3A_17 = tpu.memref_slice %arg4[%add3A, %dma_wait3A, %dma_wait3A_16] : memref<32x79x128xi32, #tpu.memory_space<hbm>> -> memref<1x79x128xi32, #tpu.memory_space<hbm>>
      %dma_wait3A_18 = tpu.memref_squeeze %dma_wait3A_17 : memref<1x79x128xi32, #tpu.memory_space<hbm>> -> memref<79x128xi32, #tpu.memory_space<hbm>>
      %dma_wait3A_19 = arith.constant 0 : i32
      %dma_wait3A_20 = arith.constant 0 : i32
      %dma_wait3A_21 = tpu.memref_slice %arg4[%add3A, %dma_wait3A_19, %dma_wait3A_20] : memref<32x79x128xi32, #tpu.memory_space<hbm>> -> memref<1x79x128xi32, #tpu.memory_space<hbm>>
      %dma_wait3A_22 = tpu.memref_squeeze %dma_wait3A_21 : memref<1x79x128xi32, #tpu.memory_space<hbm>> -> memref<79x128xi32, #tpu.memory_space<hbm>>
      tpu.wait_dma2 semaphore(%run_scoped3A : memref<!tpu.dma_semaphore, #tpu.memory_space<semaphore_mem>>) src(%dma_wait3A_22 : memref<79x128xi32, #tpu.memory_space<hbm>>) dst(%arg8 : memref<79x128xi32, #tpu.memory_space<vmem>>)
      tpu.yield
    }) : () -> ()
    %barrier3A = arith.constant 0 : index
    tpu.barrier barrier_id(%barrier3A)
    %scan3A = arith.constant 0 : i32
    %scan3A_3 = arith.constant 0 : i32
    %scan3A_4 = arith.constant 79 : i32
    %scan3A_5 = arith.addi %scan3A_3, %scan3A_4 : i32
    %scan3A_6 = arith.constant 1 : i32
    scf.for %scan3A_9 = %scan3A_3 to %scan3A_5 step %scan3A_6  : i32 {
      %dma_start3A = arith.constant 0 : i32
      %dma_start3A_10 = tpu.memref_slice %arg7[%scan3A_9, %dma_start3A] : memref<79x128xi32, #tpu.memory_space<vmem>> -> memref<1x128xi32, #tpu.memory_space<vmem>>
      %dma_start3A_11 = tpu.memref_squeeze %dma_start3A_10 : memref<1x128xi32, #tpu.memory_space<vmem>> -> memref<128xi32, #tpu.memory_space<vmem>>
      %dma_start3A_12 = arith.constant 0 : i32
      %dma_start3A_13 = arith.constant 0 : i32
      %dma_start3A_14 = tpu.memref_slice %arg2[%dma_start3A_12, %dma_start3A_13] : memref<10112x128xf32, #tpu.memory_space<hbm>> -> memref<10112x128xf32, #tpu.memory_space<hbm>>
      tpu.enqueue_indirect_dma source(%dma_start3A_14 : memref<10112x128xf32, #tpu.memory_space<hbm>>) target(%arg9 : memref<128x128xf32, #tpu.memory_space<vmem>>) offsets(%dma_start3A_11 : memref<128xi32, #tpu.memory_space<vmem>>) semaphore(%arg11 : memref<!tpu.dma_semaphore, #tpu.memory_space<semaphore_mem>>)
      %dma_wait3A = arith.constant 0 : i32
      %dma_wait3A_15 = tpu.memref_slice %arg7[%scan3A_9, %dma_wait3A] : memref<79x128xi32, #tpu.memory_space<vmem>> -> memref<1x128xi32, #tpu.memory_space<vmem>>
      %dma_wait3A_16 = tpu.memref_squeeze %dma_wait3A_15 : memref<1x128xi32, #tpu.memory_space<vmem>> -> memref<128xi32, #tpu.memory_space<vmem>>
      %dma_wait3A_17 = arith.constant 0 : i32
      %dma_wait3A_18 = arith.constant 0 : i32
      %dma_wait3A_19 = tpu.memref_slice %arg2[%dma_wait3A_17, %dma_wait3A_18] : memref<10112x128xf32, #tpu.memory_space<hbm>> -> memref<10112x128xf32, #tpu.memory_space<hbm>>
      tpu.wait_indirect_dma semaphore(%arg11 : memref<!tpu.dma_semaphore, #tpu.memory_space<semaphore_mem>>) src(%dma_wait3A_19 : memref<10112x128xf32, #tpu.memory_space<hbm>>) dst(%arg9 : memref<128x128xf32, #tpu.memory_space<vmem>>)
      "tpu.region"() ({
        %run_scoped3A = tpu.sem_alloc : memref<!tpu.dma_semaphore, #tpu.memory_space<semaphore_mem>>
        %dma_start3A_20 = arith.constant 0 : i32
        %dma_start3A_21 = tpu.memref_slice %arg8[%scan3A_9, %dma_start3A_20] : memref<79x128xi32, #tpu.memory_space<vmem>> -> memref<1x128xi32, #tpu.memory_space<vmem>>
        %dma_start3A_22 = tpu.memref_squeeze %dma_start3A_21 : memref<1x128xi32, #tpu.memory_space<vmem>> -> memref<128xi32, #tpu.memory_space<vmem>>
        %dma_start3A_23 = arith.constant 0 : i32
        %dma_start3A_24 = arith.constant 0 : i32
        %dma_start3A_25 = tpu.memref_slice %arg10[%dma_start3A_23, %dma_start3A_24] : memref<10112x128xf32, #tpu.memory_space<vmem_shared>> -> memref<10112x128xf32, #tpu.memory_space<vmem_shared>>
        tpu.enqueue_indirect_dma source(%arg9 : memref<128x128xf32, #tpu.memory_space<vmem>>) target(%dma_start3A_25 : memref<10112x128xf32, #tpu.memory_space<vmem_shared>>) offsets(%dma_start3A_22 : memref<128xi32, #tpu.memory_space<vmem>>) semaphore(%run_scoped3A : memref<!tpu.dma_semaphore, #tpu.memory_space<semaphore_mem>>) {add = true}
        %dma_wait3A_26 = arith.constant 0 : i32
        %dma_wait3A_27 = tpu.memref_slice %arg8[%scan3A_9, %dma_wait3A_26] : memref<79x128xi32, #tpu.memory_space<vmem>> -> memref<1x128xi32, #tpu.memory_space<vmem>>
        %dma_wait3A_28 = tpu.memref_squeeze %dma_wait3A_27 : memref<1x128xi32, #tpu.memory_space<vmem>> -> memref<128xi32, #tpu.memory_space<vmem>>
        %dma_wait3A_29 = arith.constant 0 : i32
        %dma_wait3A_30 = arith.constant 0 : i32
        %dma_wait3A_31 = tpu.memref_slice %arg10[%dma_wait3A_29, %dma_wait3A_30] : memref<10112x128xf32, #tpu.memory_space<vmem_shared>> -> memref<10112x128xf32, #tpu.memory_space<vmem_shared>>
        tpu.wait_indirect_dma semaphore(%run_scoped3A : memref<!tpu.dma_semaphore, #tpu.memory_space<semaphore_mem>>) src(%arg9 : memref<128x128xf32, #tpu.memory_space<vmem>>) dst(%dma_wait3A_31 : memref<10112x128xf32, #tpu.memory_space<vmem_shared>>)
        tpu.yield
      }) : () -> ()
    }
    %scan3A_7 = arith.constant 79 : i32
    %barrier3A_8 = arith.constant 0 : index
    tpu.barrier barrier_id(%barrier3A_8)
    "tpu.region"() ({
      %run_scoped3A = tpu.sem_alloc : memref<!tpu.dma_semaphore, #tpu.memory_space<semaphore_mem>>
      %dma_start3A = arith.constant 0 : i32
      %dma_start3A_9 = tpu.memref_slice %arg6[%arg0, %mul3A_2, %dma_start3A] : memref<2x10112x128xf32, #tpu.memory_space<hbm>> -> memref<1x632x128xf32, #tpu.memory_space<hbm>>
      %dma_start3A_10 = tpu.memref_squeeze %dma_start3A_9 : memref<1x632x128xf32, #tpu.memory_space<hbm>> -> memref<632x128xf32, #tpu.memory_space<hbm>>
      %dma_start3A_11 = arith.constant 0 : i32
      %dma_start3A_12 = tpu.memref_slice %arg10[%mul3A_2, %dma_start3A_11] : memref<10112x128xf32, #tpu.memory_space<vmem_shared>> -> memref<632x128xf32, #tpu.memory_space<vmem_shared>>
      tpu.enqueue_dma source(%dma_start3A_12 : memref<632x128xf32, #tpu.memory_space<vmem_shared>>) target(%dma_start3A_10 : memref<632x128xf32, #tpu.memory_space<hbm>>) target_semaphore(%run_scoped3A : memref<!tpu.dma_semaphore, #tpu.memory_space<semaphore_mem>>)
      %dma_wait3A = arith.constant 0 : i32
      %dma_wait3A_13 = tpu.memref_slice %arg6[%arg0, %mul3A_2, %dma_wait3A] : memref<2x10112x128xf32, #tpu.memory_space<hbm>> -> memref<1x632x128xf32, #tpu.memory_space<hbm>>
      %dma_wait3A_14 = tpu.memref_squeeze %dma_wait3A_13 : memref<1x632x128xf32, #tpu.memory_space<hbm>> -> memref<632x128xf32, #tpu.memory_space<hbm>>
      %dma_wait3A_15 = arith.constant 0 : i32
      %dma_wait3A_16 = tpu.memref_slice %arg10[%mul3A_2, %dma_wait3A_15] : memref<10112x128xf32, #tpu.memory_space<vmem_shared>> -> memref<632x128xf32, #tpu.memory_space<vmem_shared>>
      tpu.wait_dma2 semaphore(%run_scoped3A : memref<!tpu.dma_semaphore, #tpu.memory_space<semaphore_mem>>) src(%dma_wait3A_16 : memref<632x128xf32, #tpu.memory_space<vmem_shared>>) dst(%dma_wait3A_14 : memref<632x128xf32, #tpu.memory_space<hbm>>)
      tpu.yield
    }) : () -> ()
    return
  }
}

module attributes {stable_mosaic.version = 14 : i64} {
  func.func @_enc_body(%arg0: i32, %arg1: memref<1000x128xf32, #tpu.memory_space<vmem>>, %arg2: memref<128x128xf32, #tpu.memory_space<vmem>>, %arg3: memref<1x128xf32, #tpu.memory_space<vmem>>, %arg4: memref<1000x128xf32, #tpu.memory_space<vmem>>) attributes {dimension_semantics = [#tpu.dimension_semantics<arbitrary>], iteration_bounds = array<i64: 10>, scalar_prefetch = 0 : i64, scratch_operands = 0 : i64, tpu.core_type = #tpu.core_type<tc>, window_params = [{transform_indices = @transform_0, window_bounds = array<i64: 1000, 128>}, {pipeline_mode = #tpu.pipeline_mode<synchronous>, transform_indices = @transform_1, window_bounds = array<i64: 128, 128>}, {pipeline_mode = #tpu.pipeline_mode<synchronous>, transform_indices = @transform_2, window_bounds = array<i64: 1, 128>}, {transform_indices = @transform_3, window_bounds = array<i64: 1000, 128>}]} {
    %get3A = arith.constant 0 : index
    %get3A_0 = arith.constant 0 : index
    %get3A_1 = vector.load %arg1[%get3A, %get3A_0] : memref<1000x128xf32, #tpu.memory_space<vmem>>, vector<1000x128xf32>
    %get3A_2 = arith.constant 0 : index
    %get3A_3 = arith.constant 0 : index
    %get3A_4 = vector.load %arg2[%get3A_2, %get3A_3] : memref<128x128xf32, #tpu.memory_space<vmem>>, vector<128x128xf32>
    %dot_general3A = arith.constant dense<0.000000e+00> : vector<1000x128xf32>
    %dot_general3A_5 = tpu.matmul %get3A_1, %get3A_4, %dot_general3A {dimension_numbers = #tpu.dot_dimension_numbers<[1], [0], [0], [1], [0, 0, 1, 1], [], []>, transpose_lhs_hint = false} : vector<1000x128xf32>, vector<128x128xf32>, vector<1000x128xf32> -> vector<1000x128xf32>
    %get3A_6 = arith.constant 0 : index
    %get3A_7 = arith.constant 0 : index
    %get3A_8 = vector.load %arg3[%get3A_6, %get3A_7] : memref<1x128xf32, #tpu.memory_space<vmem>>, vector<1x128xf32>
    %add3A = vector.broadcast %get3A_8 : vector<1x128xf32> to vector<1000x128xf32>
    %add3A_9 = arith.addf %dot_general3A_5, %add3A : vector<1000x128xf32>
    %gt3A = arith.constant 0.000000e+00 : f32
    %gt3A_10 = vector.broadcast %gt3A : f32 to vector<1000x128xf32>
    %gt3A_11 = arith.cmpf ogt, %add3A_9, %gt3A_10 : vector<1000x128xf32>
    %min3A = arith.constant 0.000000e+00 : f32
    %min3A_12 = vector.broadcast %min3A : f32 to vector<1000x128xf32>
    %min3A_13 = arith.minimumf %add3A_9, %min3A_12 : vector<1000x128xf32>
    %exp3A = math.exp %min3A_13 : vector<1000x128xf32>
    %sub3A = arith.constant 1.000000e+00 : f32
    %sub3A_14 = vector.broadcast %sub3A : f32 to vector<1000x128xf32>
    %sub3A_15 = arith.subf %exp3A, %sub3A_14 : vector<1000x128xf32>
    %select_n3A = arith.select %gt3A_11, %add3A_9, %sub3A_15 : vector<1000x128xi1>, vector<1000x128xf32>
    %swap3A = arith.constant 0 : index
    %swap3A_16 = arith.constant 0 : index
    %swap3A_17 = vector.load %arg4[%swap3A, %swap3A_16] : memref<1000x128xf32, #tpu.memory_space<vmem>>, vector<1000x128xf32>
    tpu.vector_store %arg4[%swap3A, %swap3A_16], %select_n3A {strides = array<i32>} : memref<1000x128xf32, #tpu.memory_space<vmem>>, vector<1000x128xf32>,
    return
  }
  func.func @transform_0(%arg0: i32) -> (i32, i32) {
    %c0_i32 = arith.constant 0 : i32
    %c0_i32_0 = arith.constant 0 : i32
    return %arg0, %c0_i32 : i32, i32
  }
  func.func @transform_1(%arg0: i32) -> (i32, i32) {
    %c0_i32 = arith.constant 0 : i32
    %c0_i32_0 = arith.constant 0 : i32
    %c0_i32_1 = arith.constant 0 : i32
    return %c0_i32, %c0_i32_0 : i32, i32
  }
  func.func @transform_2(%arg0: i32) -> (i32, i32) {
    %c0_i32 = arith.constant 0 : i32
    %c0_i32_0 = arith.constant 0 : i32
    %c0_i32_1 = arith.constant 0 : i32
    return %c0_i32, %c0_i32_0 : i32, i32
  }
  func.func @transform_3(%arg0: i32) -> (i32, i32) {
    %c0_i32 = arith.constant 0 : i32
    %c0_i32_0 = arith.constant 0 : i32
    return %arg0, %c0_i32 : i32, i32
  }
}

module attributes {stable_mosaic.version = 14 : i64} {
  func.func @_pre_body(%arg0: i32, %arg1: memref<2528x128xf32, #tpu.memory_space<vmem>>, %arg2: memref<128x128xf32, #tpu.memory_space<vmem>>, %arg3: memref<2x2528x16xf32, #tpu.memory_space<vmem>>, %arg4: memref<2528x128xf32, #tpu.memory_space<vmem>>) attributes {dimension_semantics = [#tpu.dimension_semantics<arbitrary>], iteration_bounds = array<i64: 4>, scalar_prefetch = 0 : i64, scratch_operands = 0 : i64, tpu.core_type = #tpu.core_type<tc>, window_params = [{transform_indices = @transform_0, window_bounds = array<i64: 2528, 128>}, {pipeline_mode = #tpu.pipeline_mode<synchronous>, transform_indices = @transform_1, window_bounds = array<i64: 128, 128>}, {transform_indices = @transform_2, window_bounds = array<i64: 2, 2528, 16>}, {transform_indices = @transform_3, window_bounds = array<i64: 2528, 128>}]} {
    %get3A = arith.constant 0 : index
    %get3A_0 = arith.constant 0 : index
    %get3A_1 = arith.constant 0 : index
    %get3A_2 = vector.load %arg3[%get3A, %get3A_0, %get3A_1] : memref<2x2528x16xf32, #tpu.memory_space<vmem>>, vector<2x2528x16xf32>
    %slice3A = vector.extract_strided_slice %get3A_2 {offsets = [0, 0, 0], sizes = [1, 2528, 1], strides = [1, 1, 1]} : vector<2x2528x16xf32> to vector<1x2528x1xf32>
    %squeeze3A = vector.shape_cast %slice3A : vector<1x2528x1xf32> to vector<2528x1xf32>
    %slice3A_3 = vector.extract_strided_slice %get3A_2 {offsets = [1, 0, 0], sizes = [1, 2528, 1], strides = [1, 1, 1]} : vector<2x2528x16xf32> to vector<1x2528x1xf32>
    %squeeze3A_4 = vector.shape_cast %slice3A_3 : vector<1x2528x1xf32> to vector<2528x1xf32>
    %add3A = arith.addf %squeeze3A, %squeeze3A_4 : vector<2528x1xf32>
    %add3A_5 = arith.constant 1.000000e+00 : f32
    %add3A_6 = vector.broadcast %add3A_5 : f32 to vector<2528x1xf32>
    %add3A_7 = arith.addf %add3A, %add3A_6 : vector<2528x1xf32>
    %sqrt3A = math.sqrt %add3A_7 : vector<2528x1xf32>
    %div3A = arith.constant 1.000000e+00 : f32
    %div3A_8 = vector.broadcast %div3A : f32 to vector<2528x1xf32>
    %div3A_9 = arith.divf %div3A_8, %sqrt3A : vector<2528x1xf32>
    %get3A_10 = arith.constant 0 : index
    %get3A_11 = arith.constant 0 : index
    %get3A_12 = vector.load %arg1[%get3A_10, %get3A_11] : memref<2528x128xf32, #tpu.memory_space<vmem>>, vector<2528x128xf32>
    %get3A_13 = arith.constant 0 : index
    %get3A_14 = arith.constant 0 : index
    %get3A_15 = vector.load %arg2[%get3A_13, %get3A_14] : memref<128x128xf32, #tpu.memory_space<vmem>>, vector<128x128xf32>
    %dot_general3A = arith.constant dense<0.000000e+00> : vector<2528x128xf32>
    %dot_general3A_16 = tpu.matmul %get3A_12, %get3A_15, %dot_general3A {dimension_numbers = #tpu.dot_dimension_numbers<[1], [0], [0], [1], [0, 0, 1, 1], [], []>, transpose_lhs_hint = false} : vector<2528x128xf32>, vector<128x128xf32>, vector<2528x128xf32> -> vector<2528x128xf32>
    %mul3A = vector.broadcast %div3A_9 : vector<2528x1xf32> to vector<2528x128xf32>
    %mul3A_17 = arith.mulf %dot_general3A_16, %mul3A : vector<2528x128xf32>
    %swap3A = arith.constant 0 : index
    %swap3A_18 = arith.constant 0 : index
    %swap3A_19 = vector.load %arg4[%swap3A, %swap3A_18] : memref<2528x128xf32, #tpu.memory_space<vmem>>, vector<2528x128xf32>
    tpu.vector_store %arg4[%swap3A, %swap3A_18], %mul3A_17 {strides = array<i32>} : memref<2528x128xf32, #tpu.memory_space<vmem>>, vector<2528x128xf32>,
    return
  }
  func.func @transform_0(%arg0: i32) -> (i32, i32) {
    %c0_i32 = arith.constant 0 : i32
    %c0_i32_0 = arith.constant 0 : i32
    return %arg0, %c0_i32 : i32, i32
  }
  func.func @transform_1(%arg0: i32) -> (i32, i32) {
    %c0_i32 = arith.constant 0 : i32
    %c0_i32_0 = arith.constant 0 : i32
    %c0_i32_1 = arith.constant 0 : i32
    return %c0_i32, %c0_i32_0 : i32, i32
  }
  func.func @transform_2(%arg0: i32) -> (i32, i32, i32) {
    %c0_i32 = arith.constant 0 : i32
    %c0_i32_0 = arith.constant 0 : i32
    %c0_i32_1 = arith.constant 0 : i32
    return %c0_i32, %arg0, %c0_i32_0 : i32, i32, i32
  }
  func.func @transform_3(%arg0: i32) -> (i32, i32) {
    %c0_i32 = arith.constant 0 : i32
    %c0_i32_0 = arith.constant 0 : i32
    return %arg0, %c0_i32 : i32, i32
  }
}

module attributes {stable_mosaic.version = 14 : i64} {
  func.func @_postpre_body(%arg0: i32, %arg1: memref<2x2528x128xf32, #tpu.memory_space<vmem>>, %arg2: memref<2528x128xf32, #tpu.memory_space<vmem>>, %arg3: memref<2x2528x16xf32, #tpu.memory_space<vmem>>, %arg4: memref<1x128xf32, #tpu.memory_space<vmem>>, %arg5: memref<1x128xf32, #tpu.memory_space<vmem>>, %arg6: memref<1x128xf32, #tpu.memory_space<vmem>>, %arg7: memref<128x128xf32, #tpu.memory_space<vmem>>, %arg8: memref<2528x128xf32, #tpu.memory_space<vmem>>) attributes {dimension_semantics = [#tpu.dimension_semantics<arbitrary>], iteration_bounds = array<i64: 4>, scalar_prefetch = 0 : i64, scratch_operands = 0 : i64, tpu.core_type = #tpu.core_type<tc>, window_params = [{transform_indices = @transform_0, window_bounds = array<i64: 2, 2528, 128>}, {transform_indices = @transform_1, window_bounds = array<i64: 2528, 128>}, {transform_indices = @transform_2, window_bounds = array<i64: 2, 2528, 16>}, {pipeline_mode = #tpu.pipeline_mode<synchronous>, transform_indices = @transform_3, window_bounds = array<i64: 1, 128>}, {pipeline_mode = #tpu.pipeline_mode<synchronous>, transform_indices = @transform_4, window_bounds = array<i64: 1, 128>}, {pipeline_mode = #tpu.pipeline_mode<synchronous>, transform_indices = @transform_5, window_bounds = array<i64: 1, 128>}, {pipeline_mode = #tpu.pipeline_mode<synchronous>, transform_indices = @transform_6, window_bounds = array<i64: 128, 128>}, {transform_indices = @transform_7, window_bounds = array<i64: 2528, 128>}]} {
    %get3A = arith.constant 0 : index
    %get3A_0 = arith.constant 0 : index
    %get3A_1 = arith.constant 0 : index
    %get3A_2 = vector.load %arg3[%get3A, %get3A_0, %get3A_1] : memref<2x2528x16xf32, #tpu.memory_space<vmem>>, vector<2x2528x16xf32>
    %slice3A = vector.extract_strided_slice %get3A_2 {offsets = [0, 0, 0], sizes = [1, 2528, 1], strides = [1, 1, 1]} : vector<2x2528x16xf32> to vector<1x2528x1xf32>
    %squeeze3A = vector.shape_cast %slice3A : vector<1x2528x1xf32> to vector<2528x1xf32>
    %slice3A_3 = vector.extract_strided_slice %get3A_2 {offsets = [1, 0, 0], sizes = [1, 2528, 1], strides = [1, 1, 1]} : vector<2x2528x16xf32> to vector<1x2528x1xf32>
    %squeeze3A_4 = vector.shape_cast %slice3A_3 : vector<1x2528x1xf32> to vector<2528x1xf32>
    %add3A = arith.addf %squeeze3A, %squeeze3A_4 : vector<2528x1xf32>
    %add3A_5 = arith.constant 1.000000e+00 : f32
    %add3A_6 = vector.broadcast %add3A_5 : f32 to vector<2528x1xf32>
    %add3A_7 = arith.addf %add3A, %add3A_6 : vector<2528x1xf32>
    %sqrt3A = math.sqrt %add3A_7 : vector<2528x1xf32>
    %div3A = arith.constant 1.000000e+00 : f32
    %div3A_8 = vector.broadcast %div3A : f32 to vector<2528x1xf32>
    %div3A_9 = arith.divf %div3A_8, %sqrt3A : vector<2528x1xf32>
    %get3A_10 = arith.constant 0 : index
    %get3A_11 = arith.constant 0 : index
    %get3A_12 = arith.constant 0 : index
    %get3A_13 = vector.load %arg1[%get3A_10, %get3A_11, %get3A_12] : memref<2x2528x128xf32, #tpu.memory_space<vmem>>, vector<1x2528x128xf32>
    %get3A_14 = vector.shape_cast %get3A_13 : vector<1x2528x128xf32> to vector<2528x128xf32>
    %get3A_15 = arith.constant 1 : index
    %get3A_16 = arith.constant 0 : index
    %get3A_17 = arith.constant 0 : index
    %get3A_18 = vector.load %arg1[%get3A_15, %get3A_16, %get3A_17] : memref<2x2528x128xf32, #tpu.memory_space<vmem>>, vector<1x2528x128xf32>
    %get3A_19 = vector.shape_cast %get3A_18 : vector<1x2528x128xf32> to vector<2528x128xf32>
    %add3A_20 = arith.addf %get3A_14, %get3A_19 : vector<2528x128xf32>
    %get3A_21 = arith.constant 0 : index
    %get3A_22 = arith.constant 0 : index
    %get3A_23 = vector.load %arg2[%get3A_21, %get3A_22] : memref<2528x128xf32, #tpu.memory_space<vmem>>, vector<2528x128xf32>
    %add3A_24 = arith.addf %add3A_20, %get3A_23 : vector<2528x128xf32>
    %mul3A = vector.broadcast %div3A_9 : vector<2528x1xf32> to vector<2528x128xf32>
    %mul3A_25 = arith.mulf %add3A_24, %mul3A : vector<2528x128xf32>
    %get3A_26 = arith.constant 0 : index
    %get3A_27 = arith.constant 0 : index
    %get3A_28 = vector.load %arg4[%get3A_26, %get3A_27] : memref<1x128xf32, #tpu.memory_space<vmem>>, vector<1x128xf32>
    %add3A_29 = vector.broadcast %get3A_28 : vector<1x128xf32> to vector<2528x128xf32>
    %add3A_30 = arith.addf %mul3A_25, %add3A_29 : vector<2528x128xf32>
    %max3A = arith.constant 0.000000e+00 : f32
    %max3A_31 = vector.broadcast %max3A : f32 to vector<2528x128xf32>
    %max3A_32 = arith.maximumf %add3A_30, %max3A_31 : vector<2528x128xf32>
    %reduce_sum3A = arith.constant dense<0.000000e+00> : vector<2528xf32>
    %reduce_sum3A_33 = vector.multi_reduction <add>, %max3A_32, %reduce_sum3A [1] : vector<2528x128xf32> to vector<2528xf32>
    %broadcast_in_dim3A = vector.shape_cast %reduce_sum3A_33 : vector<2528xf32> to vector<2528x1xf32>
    %div3A_34 = arith.constant 1.280000e+02 : f32
    %div3A_35 = vector.broadcast %div3A_34 : f32 to vector<2528x1xf32>
    %div3A_36 = arith.divf %broadcast_in_dim3A, %div3A_35 : vector<2528x1xf32>
    %sub3A = vector.broadcast %div3A_36 : vector<2528x1xf32> to vector<2528x128xf32>
    %sub3A_37 = arith.subf %max3A_32, %sub3A : vector<2528x128xf32>
    %integer_pow3A = arith.mulf %sub3A_37, %sub3A_37 : vector<2528x128xf32>
    %reduce_sum3A_38 = arith.constant dense<0.000000e+00> : vector<2528xf32>
    %reduce_sum3A_39 = vector.multi_reduction <add>, %integer_pow3A, %reduce_sum3A_38 [1] : vector<2528x128xf32> to vector<2528xf32>
    %broadcast_in_dim3A_40 = vector.shape_cast %reduce_sum3A_39 : vector<2528xf32> to vector<2528x1xf32>
    %div3A_41 = arith.constant 1.280000e+02 : f32
    %div3A_42 = vector.broadcast %div3A_41 : f32 to vector<2528x1xf32>
    %div3A_43 = arith.divf %broadcast_in_dim3A_40, %div3A_42 : vector<2528x1xf32>
    %sub3A_44 = vector.broadcast %div3A_36 : vector<2528x1xf32> to vector<2528x128xf32>
    %sub3A_45 = arith.subf %max3A_32, %sub3A_44 : vector<2528x128xf32>
    %add3A_46 = arith.constant 9.99999974E-6 : f32
    %add3A_47 = vector.broadcast %add3A_46 : f32 to vector<2528x1xf32>
    %add3A_48 = arith.addf %div3A_43, %add3A_47 : vector<2528x1xf32>
    %sqrt3A_49 = math.sqrt %add3A_48 : vector<2528x1xf32>
    %div3A_50 = vector.broadcast %sqrt3A_49 : vector<2528x1xf32> to vector<2528x128xf32>
    %div3A_51 = arith.divf %sub3A_45, %div3A_50 : vector<2528x128xf32>
    %get3A_52 = arith.constant 0 : index
    %get3A_53 = arith.constant 0 : index
    %get3A_54 = vector.load %arg5[%get3A_52, %get3A_53] : memref<1x128xf32, #tpu.memory_space<vmem>>, vector<1x128xf32>
    %mul3A_55 = vector.broadcast %get3A_54 : vector<1x128xf32> to vector<2528x128xf32>
    %mul3A_56 = arith.mulf %div3A_51, %mul3A_55 : vector<2528x128xf32>
    %get3A_57 = arith.constant 0 : index
    %get3A_58 = arith.constant 0 : index
    %get3A_59 = vector.load %arg6[%get3A_57, %get3A_58] : memref<1x128xf32, #tpu.memory_space<vmem>>, vector<1x128xf32>
    %add3A_60 = vector.broadcast %get3A_59 : vector<1x128xf32> to vector<2528x128xf32>
    %add3A_61 = arith.addf %mul3A_56, %add3A_60 : vector<2528x128xf32>
    %get3A_62 = arith.constant 0 : index
    %get3A_63 = arith.constant 0 : index
    %get3A_64 = vector.load %arg7[%get3A_62, %get3A_63] : memref<128x128xf32, #tpu.memory_space<vmem>>, vector<128x128xf32>
    %dot_general3A = arith.constant dense<0.000000e+00> : vector<2528x128xf32>
    %dot_general3A_65 = tpu.matmul %add3A_61, %get3A_64, %dot_general3A {dimension_numbers = #tpu.dot_dimension_numbers<[1], [0], [0], [1], [0, 0, 1, 1], [], []>, transpose_lhs_hint = false} : vector<2528x128xf32>, vector<128x128xf32>, vector<2528x128xf32> -> vector<2528x128xf32>
    %mul3A_66 = vector.broadcast %div3A_9 : vector<2528x1xf32> to vector<2528x128xf32>
    %mul3A_67 = arith.mulf %dot_general3A_65, %mul3A_66 : vector<2528x128xf32>
    %swap3A = arith.constant 0 : index
    %swap3A_68 = arith.constant 0 : index
    %swap3A_69 = vector.load %arg8[%swap3A, %swap3A_68] : memref<2528x128xf32, #tpu.memory_space<vmem>>, vector<2528x128xf32>
    tpu.vector_store %arg8[%swap3A, %swap3A_68], %mul3A_67 {strides = array<i32>} : memref<2528x128xf32, #tpu.memory_space<vmem>>, vector<2528x128xf32>,
    return
  }
  func.func @transform_0(%arg0: i32) -> (i32, i32, i32) {
    %c0_i32 = arith.constant 0 : i32
    %c0_i32_0 = arith.constant 0 : i32
    %c0_i32_1 = arith.constant 0 : i32
    return %c0_i32, %arg0, %c0_i32_0 : i32, i32, i32
  }
  func.func @transform_1(%arg0: i32) -> (i32, i32) {
    %c0_i32 = arith.constant 0 : i32
    %c0_i32_0 = arith.constant 0 : i32
    return %arg0, %c0_i32 : i32, i32
  }
  func.func @transform_2(%arg0: i32) -> (i32, i32, i32) {
    %c0_i32 = arith.constant 0 : i32
    %c0_i32_0 = arith.constant 0 : i32
    %c0_i32_1 = arith.constant 0 : i32
    return %c0_i32, %arg0, %c0_i32_0 : i32, i32, i32
  }
  func.func @transform_3(%arg0: i32) -> (i32, i32) {
    %c0_i32 = arith.constant 0 : i32
    %c0_i32_0 = arith.constant 0 : i32
    %c0_i32_1 = arith.constant 0 : i32
    return %c0_i32, %c0_i32_0 : i32, i32
  }
  func.func @transform_4(%arg0: i32) -> (i32, i32) {
    %c0_i32 = arith.constant 0 : i32
    %c0_i32_0 = arith.constant 0 : i32
    %c0_i32_1 = arith.constant 0 : i32
    return %c0_i32, %c0_i32_0 : i32, i32
  }
  func.func @transform_5(%arg0: i32) -> (i32, i32) {
    %c0_i32 = arith.constant 0 : i32
    %c0_i32_0 = arith.constant 0 : i32
    %c0_i32_1 = arith.constant 0 : i32
    return %c0_i32, %c0_i32_0 : i32, i32
  }
  func.func @transform_6(%arg0: i32) -> (i32, i32) {
    %c0_i32 = arith.constant 0 : i32
    %c0_i32_0 = arith.constant 0 : i32
    %c0_i32_1 = arith.constant 0 : i32
    return %c0_i32, %c0_i32_0 : i32, i32
  }
  func.func @transform_7(%arg0: i32) -> (i32, i32) {
    %c0_i32 = arith.constant 0 : i32
    %c0_i32_0 = arith.constant 0 : i32
    return %arg0, %c0_i32 : i32, i32
  }
}

module attributes {stable_mosaic.version = 14 : i64} {
  func.func @_final_body(%arg0: i32, %arg1: memref<2x1000x128xf32, #tpu.memory_space<vmem>>, %arg2: memref<1000x128xf32, #tpu.memory_space<vmem>>, %arg3: memref<2x1000x16xf32, #tpu.memory_space<vmem>>, %arg4: memref<1x128xf32, #tpu.memory_space<vmem>>, %arg5: memref<1x128xf32, #tpu.memory_space<vmem>>, %arg6: memref<1x128xf32, #tpu.memory_space<vmem>>, %arg7: memref<1x1x1000xi32, #tpu.memory_space<vmem>>, %arg8: memref<128x128xf32, #tpu.memory_space<vmem>>, %arg9: memref<1x128xf32, #tpu.memory_space<vmem>>, %arg10: memref<16x128xf32, #tpu.memory_space<vmem>>, %arg11: memref<16x128xf32, #tpu.memory_space<vmem>>, %arg12: memref<16x128xf32, #tpu.memory_space<vmem>>) attributes {dimension_semantics = [#tpu.dimension_semantics<arbitrary>], iteration_bounds = array<i64: 10>, scalar_prefetch = 0 : i64, scratch_operands = 2 : i64, tpu.core_type = #tpu.core_type<tc>, window_params = [{transform_indices = @transform_0, window_bounds = array<i64: 2, 1000, 128>}, {transform_indices = @transform_1, window_bounds = array<i64: 1000, 128>}, {transform_indices = @transform_2, window_bounds = array<i64: 2, 1000, 16>}, {pipeline_mode = #tpu.pipeline_mode<synchronous>, transform_indices = @transform_3, window_bounds = array<i64: 1, 128>}, {pipeline_mode = #tpu.pipeline_mode<synchronous>, transform_indices = @transform_4, window_bounds = array<i64: 1, 128>}, {pipeline_mode = #tpu.pipeline_mode<synchronous>, transform_indices = @transform_5, window_bounds = array<i64: 1, 128>}, {transform_indices = @transform_6, window_bounds = array<i64: 1, 1, 1000>}, {pipeline_mode = #tpu.pipeline_mode<synchronous>, transform_indices = @transform_7, window_bounds = array<i64: 128, 128>}, {pipeline_mode = #tpu.pipeline_mode<synchronous>, transform_indices = @transform_8, window_bounds = array<i64: 1, 128>}, {pipeline_mode = #tpu.pipeline_mode<synchronous>, transform_indices = @transform_9, window_bounds = array<i64: 16, 128>}]} {
    %eq3A = arith.constant 0 : i32
    %eq3A_0 = arith.cmpi eq, %arg0, %eq3A : i32
    %convert_element_type3A = arith.extui %eq3A_0 : i1 to i32
    %cond3A = arith.constant 0 : i32
    %cond3A_1 = arith.cmpi ne, %convert_element_type3A, %cond3A : i32
    scf.if %cond3A_1 {
      %broadcast_in_dim3A_97 = arith.constant 0.000000e+00 : f32
      %broadcast_in_dim3A_98 = vector.broadcast %broadcast_in_dim3A_97 : f32 to vector<16x128xf32>
      %swap3A_99 = arith.constant 0 : index
      %swap3A_100 = arith.constant 0 : index
      %swap3A_101 = vector.load %arg11[%swap3A_99, %swap3A_100] : memref<16x128xf32, #tpu.memory_space<vmem>>, vector<16x128xf32>
      tpu.vector_store %arg11[%swap3A_99, %swap3A_100], %broadcast_in_dim3A_98 {strides = array<i32>} : memref<16x128xf32, #tpu.memory_space<vmem>>, vector<16x128xf32>,
      %broadcast_in_dim3A_102 = arith.constant 0.000000e+00 : f32
      %broadcast_in_dim3A_103 = vector.broadcast %broadcast_in_dim3A_102 : f32 to vector<16x128xf32>
      %swap3A_104 = arith.constant 0 : index
      %swap3A_105 = arith.constant 0 : index
      %swap3A_106 = vector.load %arg12[%swap3A_104, %swap3A_105] : memref<16x128xf32, #tpu.memory_space<vmem>>, vector<16x128xf32>
      tpu.vector_store %arg12[%swap3A_104, %swap3A_105], %broadcast_in_dim3A_103 {strides = array<i32>} : memref<16x128xf32, #tpu.memory_space<vmem>>, vector<16x128xf32>,
    } else {
    }
    %get3A = arith.constant 0 : index
    %get3A_2 = arith.constant 0 : index
    %get3A_3 = arith.constant 0 : index
    %get3A_4 = vector.load %arg3[%get3A, %get3A_2, %get3A_3] : memref<2x1000x16xf32, #tpu.memory_space<vmem>>, vector<2x1000x16xf32>
    %slice3A = vector.extract_strided_slice %get3A_4 {offsets = [0, 0, 0], sizes = [1, 1000, 1], strides = [1, 1, 1]} : vector<2x1000x16xf32> to vector<1x1000x1xf32>
    %squeeze3A = vector.shape_cast %slice3A : vector<1x1000x1xf32> to vector<1000x1xf32>
    %slice3A_5 = vector.extract_strided_slice %get3A_4 {offsets = [1, 0, 0], sizes = [1, 1000, 1], strides = [1, 1, 1]} : vector<2x1000x16xf32> to vector<1x1000x1xf32>
    %squeeze3A_6 = vector.shape_cast %slice3A_5 : vector<1x1000x1xf32> to vector<1000x1xf32>
    %add3A = arith.addf %squeeze3A, %squeeze3A_6 : vector<1000x1xf32>
    %add3A_7 = arith.constant 1.000000e+00 : f32
    %add3A_8 = vector.broadcast %add3A_7 : f32 to vector<1000x1xf32>
    %add3A_9 = arith.addf %add3A, %add3A_8 : vector<1000x1xf32>
    %sqrt3A = math.sqrt %add3A_9 : vector<1000x1xf32>
    %div3A = arith.constant 1.000000e+00 : f32
    %div3A_10 = vector.broadcast %div3A : f32 to vector<1000x1xf32>
    %div3A_11 = arith.divf %div3A_10, %sqrt3A : vector<1000x1xf32>
    %get3A_12 = arith.constant 0 : index
    %get3A_13 = arith.constant 0 : index
    %get3A_14 = arith.constant 0 : index
    %get3A_15 = vector.load %arg1[%get3A_12, %get3A_13, %get3A_14] : memref<2x1000x128xf32, #tpu.memory_space<vmem>>, vector<1x1000x128xf32>
    %get3A_16 = vector.shape_cast %get3A_15 : vector<1x1000x128xf32> to vector<1000x128xf32>
    %get3A_17 = arith.constant 1 : index
    %get3A_18 = arith.constant 0 : index
    %get3A_19 = arith.constant 0 : index
    %get3A_20 = vector.load %arg1[%get3A_17, %get3A_18, %get3A_19] : memref<2x1000x128xf32, #tpu.memory_space<vmem>>, vector<1x1000x128xf32>
    %get3A_21 = vector.shape_cast %get3A_20 : vector<1x1000x128xf32> to vector<1000x128xf32>
    %add3A_22 = arith.addf %get3A_16, %get3A_21 : vector<1000x128xf32>
    %get3A_23 = arith.constant 0 : index
    %get3A_24 = arith.constant 0 : index
    %get3A_25 = vector.load %arg2[%get3A_23, %get3A_24] : memref<1000x128xf32, #tpu.memory_space<vmem>>, vector<1000x128xf32>
    %add3A_26 = arith.addf %add3A_22, %get3A_25 : vector<1000x128xf32>
    %mul3A = vector.broadcast %div3A_11 : vector<1000x1xf32> to vector<1000x128xf32>
    %mul3A_27 = arith.mulf %add3A_26, %mul3A : vector<1000x128xf32>
    %get3A_28 = arith.constant 0 : index
    %get3A_29 = arith.constant 0 : index
    %get3A_30 = vector.load %arg4[%get3A_28, %get3A_29] : memref<1x128xf32, #tpu.memory_space<vmem>>, vector<1x128xf32>
    %add3A_31 = vector.broadcast %get3A_30 : vector<1x128xf32> to vector<1000x128xf32>
    %add3A_32 = arith.addf %mul3A_27, %add3A_31 : vector<1000x128xf32>
    %max3A = arith.constant 0.000000e+00 : f32
    %max3A_33 = vector.broadcast %max3A : f32 to vector<1000x128xf32>
    %max3A_34 = arith.maximumf %add3A_32, %max3A_33 : vector<1000x128xf32>
    %reduce_sum3A = arith.constant dense<0.000000e+00> : vector<1000xf32>
    %reduce_sum3A_35 = vector.multi_reduction <add>, %max3A_34, %reduce_sum3A [1] : vector<1000x128xf32> to vector<1000xf32>
    %broadcast_in_dim3A = vector.shape_cast %reduce_sum3A_35 : vector<1000xf32> to vector<1000x1xf32>
    %div3A_36 = arith.constant 1.280000e+02 : f32
    %div3A_37 = vector.broadcast %div3A_36 : f32 to vector<1000x1xf32>
    %div3A_38 = arith.divf %broadcast_in_dim3A, %div3A_37 : vector<1000x1xf32>
    %sub3A = vector.broadcast %div3A_38 : vector<1000x1xf32> to vector<1000x128xf32>
    %sub3A_39 = arith.subf %max3A_34, %sub3A : vector<1000x128xf32>
    %integer_pow3A = arith.mulf %sub3A_39, %sub3A_39 : vector<1000x128xf32>
    %reduce_sum3A_40 = arith.constant dense<0.000000e+00> : vector<1000xf32>
    %reduce_sum3A_41 = vector.multi_reduction <add>, %integer_pow3A, %reduce_sum3A_40 [1] : vector<1000x128xf32> to vector<1000xf32>
    %broadcast_in_dim3A_42 = vector.shape_cast %reduce_sum3A_41 : vector<1000xf32> to vector<1000x1xf32>
    %div3A_43 = arith.constant 1.280000e+02 : f32
    %div3A_44 = vector.broadcast %div3A_43 : f32 to vector<1000x1xf32>
    %div3A_45 = arith.divf %broadcast_in_dim3A_42, %div3A_44 : vector<1000x1xf32>
    %sub3A_46 = vector.broadcast %div3A_38 : vector<1000x1xf32> to vector<1000x128xf32>
    %sub3A_47 = arith.subf %max3A_34, %sub3A_46 : vector<1000x128xf32>
    %add3A_48 = arith.constant 9.99999974E-6 : f32
    %add3A_49 = vector.broadcast %add3A_48 : f32 to vector<1000x1xf32>
    %add3A_50 = arith.addf %div3A_45, %add3A_49 : vector<1000x1xf32>
    %sqrt3A_51 = math.sqrt %add3A_50 : vector<1000x1xf32>
    %div3A_52 = vector.broadcast %sqrt3A_51 : vector<1000x1xf32> to vector<1000x128xf32>
    %div3A_53 = arith.divf %sub3A_47, %div3A_52 : vector<1000x128xf32>
    %get3A_54 = arith.constant 0 : index
    %get3A_55 = arith.constant 0 : index
    %get3A_56 = vector.load %arg5[%get3A_54, %get3A_55] : memref<1x128xf32, #tpu.memory_space<vmem>>, vector<1x128xf32>
    %mul3A_57 = vector.broadcast %get3A_56 : vector<1x128xf32> to vector<1000x128xf32>
    %mul3A_58 = arith.mulf %div3A_53, %mul3A_57 : vector<1000x128xf32>
    %get3A_59 = arith.constant 0 : index
    %get3A_60 = arith.constant 0 : index
    %get3A_61 = vector.load %arg6[%get3A_59, %get3A_60] : memref<1x128xf32, #tpu.memory_space<vmem>>, vector<1x128xf32>
    %add3A_62 = vector.broadcast %get3A_61 : vector<1x128xf32> to vector<1000x128xf32>
    %add3A_63 = arith.addf %mul3A_58, %add3A_62 : vector<1000x128xf32>
    %get3A_64 = arith.constant 0 : index
    %get3A_65 = arith.constant 0 : index
    %get3A_66 = arith.constant 0 : index
    %get3A_67 = vector.load %arg7[%get3A_64, %get3A_65, %get3A_66] : memref<1x1x1000xi32, #tpu.memory_space<vmem>>, vector<1x1x1000xi32>
    %get3A_68 = vector.shape_cast %get3A_67 : vector<1x1x1000xi32> to vector<1x1000xi32>
    %iota3A = tpu.iota {dimensions = array<i32: 0>} : vector<16x1000xi32>
    %eq3A_69 = vector.broadcast %get3A_68 : vector<1x1000xi32> to vector<16x1000xi32>
    %eq3A_70 = arith.cmpi eq, %iota3A, %eq3A_69 : vector<16x1000xi32>
    %convert_element_type3A_71 = arith.extui %eq3A_70 : vector<16x1000xi1> to vector<16x1000xi32>
    %convert_element_type3A_72 = arith.sitofp %convert_element_type3A_71 : vector<16x1000xi32> to vector<16x1000xf32>
    %get3A_73 = arith.constant 0 : index
    %get3A_74 = arith.constant 0 : index
    %get3A_75 = vector.load %arg11[%get3A_73, %get3A_74] : memref<16x128xf32, #tpu.memory_space<vmem>>, vector<16x128xf32>
    %dot_general3A = arith.constant dense<0.000000e+00> : vector<16x128xf32>
    %dot_general3A_76 = tpu.matmul %convert_element_type3A_72, %add3A_63, %dot_general3A {dimension_numbers = #tpu.dot_dimension_numbers<[1], [0], [0], [1], [0, 0, 1, 1], [], []>, transpose_lhs_hint = false} : vector<16x1000xf32>, vector<1000x128xf32>, vector<16x128xf32> -> vector<16x128xf32>
    %add3A_77 = arith.addf %get3A_75, %dot_general3A_76 : vector<16x128xf32>
    %swap3A = arith.constant 0 : index
    %swap3A_78 = arith.constant 0 : index
    %swap3A_79 = vector.load %arg11[%swap3A, %swap3A_78] : memref<16x128xf32, #tpu.memory_space<vmem>>, vector<16x128xf32>
    tpu.vector_store %arg11[%swap3A, %swap3A_78], %add3A_77 {strides = array<i32>} : memref<16x128xf32, #tpu.memory_space<vmem>>, vector<16x128xf32>,
    %get3A_80 = arith.constant 0 : index
    %get3A_81 = arith.constant 0 : index
    %get3A_82 = vector.load %arg12[%get3A_80, %get3A_81] : memref<16x128xf32, #tpu.memory_space<vmem>>, vector<16x128xf32>
    %reduce_sum3A_83 = arith.constant dense<0.000000e+00> : vector<16xf32>
    %reduce_sum3A_84 = vector.multi_reduction <add>, %convert_element_type3A_72, %reduce_sum3A_83 [1] : vector<16x1000xf32> to vector<16xf32>
    %broadcast_in_dim3A_85 = vector.shape_cast %reduce_sum3A_84 : vector<16xf32> to vector<16x1xf32>
    %broadcast_in_dim3A_86 = vector.shape_cast %broadcast_in_dim3A_85 : vector<16x1xf32> to vector<16x1xf32>
    %broadcast_in_dim3A_87 = vector.broadcast %broadcast_in_dim3A_86 : vector<16x1xf32> to vector<16x128xf32>
    %add3A_88 = arith.addf %get3A_82, %broadcast_in_dim3A_87 : vector<16x128xf32>
    %swap3A_89 = arith.constant 0 : index
    %swap3A_90 = arith.constant 0 : index
    %swap3A_91 = vector.load %arg12[%swap3A_89, %swap3A_90] : memref<16x128xf32, #tpu.memory_space<vmem>>, vector<16x128xf32>
    tpu.vector_store %arg12[%swap3A_89, %swap3A_90], %add3A_88 {strides = array<i32>} : memref<16x128xf32, #tpu.memory_space<vmem>>, vector<16x128xf32>,
    %eq3A_92 = arith.constant 9 : i32
    %eq3A_93 = arith.cmpi eq, %arg0, %eq3A_92 : i32
    %convert_element_type3A_94 = arith.extui %eq3A_93 : i1 to i32
    %cond3A_95 = arith.constant 0 : i32
    %cond3A_96 = arith.cmpi ne, %convert_element_type3A_94, %cond3A_95 : i32
    scf.if %cond3A_96 {
      %get3A_97 = arith.constant 0 : index
      %get3A_98 = arith.constant 0 : index
      %get3A_99 = vector.load %arg11[%get3A_97, %get3A_98] : memref<16x128xf32, #tpu.memory_space<vmem>>, vector<16x128xf32>
      %get3A_100 = arith.constant 0 : index
      %get3A_101 = arith.constant 0 : index
      %get3A_102 = vector.load %arg12[%get3A_100, %get3A_101] : memref<16x128xf32, #tpu.memory_space<vmem>>, vector<16x128xf32>
      %max3A_103 = arith.constant 1.000000e+00 : f32
      %max3A_104 = vector.broadcast %max3A_103 : f32 to vector<16x128xf32>
      %max3A_105 = arith.maximumf %get3A_102, %max3A_104 : vector<16x128xf32>
      %div3A_106 = arith.divf %get3A_99, %max3A_105 : vector<16x128xf32>
      %get3A_107 = arith.constant 0 : index
      %get3A_108 = arith.constant 0 : index
      %get3A_109 = vector.load %arg8[%get3A_107, %get3A_108] : memref<128x128xf32, #tpu.memory_space<vmem>>, vector<128x128xf32>
      %dot_general3A_110 = arith.constant dense<0.000000e+00> : vector<16x128xf32>
      %dot_general3A_111 = tpu.matmul %div3A_106, %get3A_109, %dot_general3A_110 {dimension_numbers = #tpu.dot_dimension_numbers<[1], [0], [0], [1], [0, 0, 1, 1], [], []>, transpose_lhs_hint = false} : vector<16x128xf32>, vector<128x128xf32>, vector<16x128xf32> -> vector<16x128xf32>
      %get3A_112 = arith.constant 0 : index
      %get3A_113 = arith.constant 0 : index
      %get3A_114 = vector.load %arg9[%get3A_112, %get3A_113] : memref<1x128xf32, #tpu.memory_space<vmem>>, vector<1x128xf32>
      %add3A_115 = vector.broadcast %get3A_114 : vector<1x128xf32> to vector<16x128xf32>
      %add3A_116 = arith.addf %dot_general3A_111, %add3A_115 : vector<16x128xf32>
      %logistic3A = arith.negf %add3A_116 : vector<16x128xf32>
      %logistic3A_117 = math.exp %logistic3A : vector<16x128xf32>
      %logistic3A_118 = arith.constant 1.000000e+00 : f32
      %logistic3A_119 = vector.broadcast %logistic3A_118 : f32 to vector<16x128xf32>
      %logistic3A_120 = arith.addf %logistic3A_119, %logistic3A_117 : vector<16x128xf32>
      %logistic3A_121 = arith.divf %logistic3A_119, %logistic3A_120 : vector<16x128xf32>
      %swap3A_122 = arith.constant 0 : index
      %swap3A_123 = arith.constant 0 : index
      %swap3A_124 = vector.load %arg10[%swap3A_122, %swap3A_123] : memref<16x128xf32, #tpu.memory_space<vmem>>, vector<16x128xf32>
      tpu.vector_store %arg10[%swap3A_122, %swap3A_123], %logistic3A_121 {strides = array<i32>} : memref<16x128xf32, #tpu.memory_space<vmem>>, vector<16x128xf32>,
    } else {
    }
    return
  }
  func.func @transform_0(%arg0: i32) -> (i32, i32, i32) {
    %c0_i32 = arith.constant 0 : i32
    %c0_i32_0 = arith.constant 0 : i32
    %c0_i32_1 = arith.constant 0 : i32
    return %c0_i32, %arg0, %c0_i32_0 : i32, i32, i32
  }
  func.func @transform_1(%arg0: i32) -> (i32, i32) {
    %c0_i32 = arith.constant 0 : i32
    %c0_i32_0 = arith.constant 0 : i32
    return %arg0, %c0_i32 : i32, i32
  }
  func.func @transform_2(%arg0: i32) -> (i32, i32, i32) {
    %c0_i32 = arith.constant 0 : i32
    %c0_i32_0 = arith.constant 0 : i32
    %c0_i32_1 = arith.constant 0 : i32
    return %c0_i32, %arg0, %c0_i32_0 : i32, i32, i32
  }
  func.func @transform_3(%arg0: i32) -> (i32, i32) {
    %c0_i32 = arith.constant 0 : i32
    %c0_i32_0 = arith.constant 0 : i32
    %c0_i32_1 = arith.constant 0 : i32
    return %c0_i32, %c0_i32_0 : i32, i32
  }
  func.func @transform_4(%arg0: i32) -> (i32, i32) {
    %c0_i32 = arith.constant 0 : i32
    %c0_i32_0 = arith.constant 0 : i32
    %c0_i32_1 = arith.constant 0 : i32
    return %c0_i32, %c0_i32_0 : i32, i32
  }
  func.func @transform_5(%arg0: i32) -> (i32, i32) {
    %c0_i32 = arith.constant 0 : i32
    %c0_i32_0 = arith.constant 0 : i32
    %c0_i32_1 = arith.constant 0 : i32
    return %c0_i32, %c0_i32_0 : i32, i32
  }
  func.func @transform_6(%arg0: i32) -> (i32, i32, i32) {
    %c0_i32 = arith.constant 0 : i32
    %c0_i32_0 = arith.constant 0 : i32
    %c0_i32_1 = arith.constant 0 : i32
    return %arg0, %c0_i32, %c0_i32_0 : i32, i32, i32
  }
  func.func @transform_7(%arg0: i32) -> (i32, i32) {
    %c0_i32 = arith.constant 0 : i32
    %c0_i32_0 = arith.constant 0 : i32
    %c0_i32_1 = arith.constant 0 : i32
    return %c0_i32, %c0_i32_0 : i32, i32
  }
  func.func @transform_8(%arg0: i32) -> (i32, i32) {
    %c0_i32 = arith.constant 0 : i32
    %c0_i32_0 = arith.constant 0 : i32
    %c0_i32_1 = arith.constant 0 : i32
    return %c0_i32, %c0_i32_0 : i32, i32
  }
  func.func @transform_9(%arg0: i32) -> (i32, i32) {
    %c0_i32 = arith.constant 0 : i32
    %c0_i32_0 = arith.constant 0 : i32
    %c0_i32_1 = arith.constant 0 : i32
    return %c0_i32, %c0_i32_0 : i32, i32
  }
}

</mosaic_0001>

<sc_bundles>
// kernel: kernel.11.cloned.1.call-start
scs
__scs_entry_jumppad:
0x0: {  	(pc) =	sbr.rel $0x88, $3  }
0x1: {  	(tag) =	ssettag $0x0;
	lr =	simm.s32 $0x1  }
0x2: {  	[smem:$0x3F8E] =	sst lr;
	_ =	strace $0xD0000000  }
0x3: {  	_ = 	snop  }
0x4: {  	_ = 	snop  }
0x5: {  	_ = 	snop  }
0x6: {  	_ = 	snop  }
0x7: {  	_ = 	snop  }
__scs_overlays_trampoline_lowered:
0x8: {  	[smem:$0x3F9D] =	sst s0  }
0x9: {  	[smem:$0x3F9E] =	sst s1  }
0xa: {  	[smem:$0x3F9F] =	sst s2  }
0xb: {  	[smem:$0x3FA0] =	sst s3  }
0xc: {  	[smem:$0x3FA1] =	sst s4  }
0xd: {  	[smem:$0x3FA2] =	sst s5  }
0xe: {  	[smem:$0x3FA3] =	sst s6  }
0xf: {  	[smem:$0x3FA4] =	sst s7  }
0x10: {  	[smem:$0x3FA5] =	sst s8  }
0x11: {  	[smem:$0x3FA6] =	sst s9;
	s0 =	simm.s32 @!p0 $0x0  }
0x12: {  	s1 =	sld [smem:$0x3F8C];
	s0 =	simm.s32 @p0 $0x1  }
0x13: {  	[smem:$0x3FA7] =	sst s0;
	s0 =	simm.s32 @!p1 $0x0  }
0x14: {  	s2 =	sld [smem:$0x3F8B];
	s0 =	simm.s32 @p1 $0x1  }
0x15: {  	[smem:$0x3FA8] =	sst s0;
	s0 =	simm.s32 @!p2 $0x0  }
0x16: {  	s3 =	sld [smem:$0x3FDB];
	s0 =	simm.s32 @p2 $0x1  }
0x17: {  	s4 =	simm.s32 $0x1BF5;
	[smem:$0x3FAA] =	sst s0  }
0x18: {  	s0 =	sld [smem:$0x3F8D];
	_ =	swait.ge [sflag:s4], $0x0  }
0x19: {  	s7 =	sld [smem:$0x3F8E]  }
0x1a: {  	s8 =	sadd.s32 $0xFFFFE003, lr  }
0x1b: {  	s9 =	sadd.s32 $0xFFFFFEF7, lr;
	s5 =	simm.s32 $0xFFFFFFFF;
	p2 =	slt.u32 s8, $0xFFFFF086  }
0x1c: {  	p1 =	slt.u32 s9, $0xF7A;
	s5 =	simm.s32 @!p2 $0x0  }
0x1d: {  	s5 =	simm.s32 @p1 $0x1;
	p0 =	seq.s32 s7, s2  }
0x1e: {  	s7 =	smul.u32 @!p0 $0xF7A, s2;
	p2 =	seq.s32 @!p0 s5, $0x0  }
0x1f: {  	s9 =	smul.u32 $0xF7A, s1;
	s8 =	simm.s32 @!p0 $0x1BF5;
	p2 =	por !p2, p0  }
0x20: {  	[sflag:s8] =	ssyncset.s32 @!p0 $0xFFFFF086;
	s6 =	sadd.s32 @!p0 s3, s7;
	s7 =	simm.s32 @!p0 $0x108  }
0x21: {  	s3 =	sadd.s32 s3, s9;
	s6 =	sadd.s32 @!p0 $0x88, s6;
	s7 =	simm.s32 @p2 $0x1082  }
0x22: {  	[simem:s7], [sflag:s8] =	dma.local @!p0 [hbm:s6], $0xF7A  }
0x23: {  	s9 =	sor.u32 $0xD0000000, s2;
	s6 =	simm.s32 $0x108;
	_ =	swait.ge @!p0 [sflag:s8], $0x0  }
0x24: {  	s3 =	sadd.s32 $0x88, s3;
	s6 =	simm.s32 @!p1 $0x1082;
	[sflag:s4] =	ssyncset.s32 $0xFFFFF086  }
0x25: {  	[simem:s6], [sflag:s4] =	dma.local [hbm:s3], $0xF7A  }
0x26: {  	[smem:$0x3F8E] =	sst s1;
	(tag) =	ssettag s2;
	_ =	strace s9  }
0x27: {  	s1 =	sld [smem:$0x3F9E]  }
0x28: {  	s2 =	sld [smem:$0x3F9F]  }
0x29: {  	s4 =	sld [smem:$0x3FA1]  }
0x2a: {  	p0 =	seq.s32 s5, $0x0;
	s5 =	sld [smem:$0x3FA2]  }
0x2b: {  	s6 =	sld [smem:$0x3FA3]  }
0x2c: {  	s7 =	sld [smem:$0x3FA4]  }
0x2d: {  	s3 =	simm.s32 $0x108;
	s8 =	sld [smem:$0x3FA5]  }
0x2e: {  	s3 =	simm.s32 @!p0 $0x1082;
	s9 =	sld [smem:$0x3FA6]  }
0x2f: {  	lr =	sadd.s32 s0, s3;
	s0 =	sld [smem:$0x3F9D]  }
0x30: {  	s3 =	sld [smem:$0x3FA0]  }
0x31: {  	[smem:$0x3FA9] =	sst s10  }
0x32: {  	s10 =	sld [smem:$0x3FA7];
	_ =	sdelay $0x3  }
0x33: {  	p0 =	seq.s32 s10, $0x1;
	s10 =	sld [smem:$0x3FA9];
	_ =	sdelay $0x3  }
0x34: {  	[smem:$0x3FA9] =	sst s10  }
0x35: {  	s10 =	sld [smem:$0x3FA8];
	_ =	sdelay $0x3  }
0x36: {  	p1 =	seq.s32 s10, $0x1;
	s10 =	sld [smem:$0x3FA9];
	_ =	sdelay $0x3  }
0x37: {  	[smem:$0x3FA9] =	sst s10  }
0x38: {  	s10 =	sld [smem:$0x3FAA]  }
0x39: {  	_ = 	snop;
	(pc) =	sbr.ind lr, $3  }
0x3a: {  	_ = 	snop  }
0x3b: {  	_ = 	snop  }
0x3c: {  	p2 =	seq.s32 s10, $0x1;
	s10 =	sld [smem:$0x3FA9]  }
0x3d: {  	_ =	shalt  }
0x3e: {  	_ =	shalt  }
0x3f: {  	_ =	shalt  }
0x40: {  	_ =	shalt  }
0x41: {  	_ =	shalt  }
0x42: {  	_ =	shalt  }
0x43: {  	_ =	shalt  }
0x44: {  	_ =	shalt  }
0x45: {  	_ =	shalt  }
0x46: {  	_ =	shalt  }
0x47: {  	_ =	shalt  }
0x48: {  	_ =	shalt  }
0x49: {  	_ =	shalt  }
0x4a: {  	_ =	shalt  }
0x4b: {  	_ =	shalt  }
0x4c: {  	_ =	shalt  }
0x4d: {  	_ =	shalt  }
0x4e: {  	_ =	shalt  }
0x4f: {  	_ =	shalt  }
0x50: {  	_ =	shalt  }
0x51: {  	_ =	shalt  }
0x52: {  	_ =	shalt  }
0x53: {  	_ =	shalt  }
0x54: {  	_ =	shalt  }
0x55: {  	_ =	shalt  }
0x56: {  	_ =	shalt  }
0x57: {  	_ =	shalt  }
0x58: {  	_ =	shalt  }
0x59: {  	_ =	shalt  }
0x5a: {  	_ =	shalt  }
0x5b: {  	_ =	shalt  }
0x5c: {  	_ =	shalt  }
0x5d: {  	_ =	shalt  }
0x5e: {  	_ =	shalt  }
0x5f: {  	_ =	shalt  }
0x60: {  	_ =	shalt  }
0x61: {  	_ =	shalt  }
0x62: {  	_ =	shalt  }
0x63: {  	_ =	shalt  }
0x64: {  	_ =	shalt  }
0x65: {  	_ =	shalt  }
0x66: {  	_ =	shalt  }
0x67: {  	_ =	shalt  }
0x68: {  	_ =	shalt  }
0x69: {  	_ =	shalt  }
0x6a: {  	_ =	shalt  }
0x6b: {  	_ =	shalt  }
0x6c: {  	_ =	shalt  }
0x6d: {  	_ =	shalt  }
0x6e: {  	_ =	shalt  }
0x6f: {  	_ =	shalt  }
0x70: {  	_ =	shalt  }
0x71: {  	_ =	shalt  }
0x72: {  	_ =	shalt  }
0x73: {  	_ =	shalt  }
0x74: {  	_ =	shalt  }
0x75: {  	_ =	shalt  }
0x76: {  	_ =	shalt  }
0x77: {  	_ =	shalt  }
0x78: {  	_ =	shalt  }
0x79: {  	_ =	shalt  }
0x7a: {  	_ =	shalt  }
0x7b: {  	_ =	shalt  }
0x7c: {  	_ =	shalt  }
0x7d: {  	_ =	shalt  }
0x7e: {  	_ =	shalt  }
0x7f: {  	_ =	shalt  }
0x80: {  	_ =	shalt  }
0x81: {  	_ =	shalt  }
0x82: {  	_ =	shalt  }
0x83: {  	_ =	shalt  }
0x84: {  	_ =	shalt  }
0x85: {  	_ =	shalt  }
0x86: {  	_ =	shalt  }
0x87: {  	_ =	shalt  }
.Lfunc_end0:
.L_simem_size_0:
called_computation_lowered:
.L_overlay_start_0:
0x88: {  	s2 =	sld [smem:$0x3FD9]  }
0x89: {  	s3 =	sld [smem:$0x3FFE];
	_ =	sdelay $0x1  }
0x8a: {  	s1 =	srdreg.scid  }
0x8b: {  	s0 =	sand.u32 $0x1, s1  }
0x8c: {  	s16 =	sshll.u32 s0, $0xA;
	s2 =	sadd.s32 s3, s2  }
0x8d: {  	s2 =	sadd.s32 s2, s16  }
0x8e: {  	[smem:$0x3FB5] =	sst s2  }
0x8f: {  	_ = 	snop  }
0x90: {  	(tm) =	ssettm $0x1  }
0x91: {  	s17 =	sld [smem:$0x3FFB];
	_ =	sdelay $0x3  }
0x92: {  	_ =	strace s17  }
0x93: {  	s2 =	sld [smem:$0x3FFC];
	_ =	sdelay $0x3  }
0x94: {  	_ =	strace s2  }
0x95: {  	s2 =	sld [smem:$0x3FFD];
	_ =	sdelay $0x3  }
0x96: {  	_ =	strace s2  }
0x97: {  	_ =	strace $0x8FFFFFFF  }
0x98: {  	s18 =	sld [smem:$0x3FDB];
	_ =	sdelay $0x1  }
0x99: {  	s19 =	simm.s32 $_scs_section_size  }
0x9a: {  	s4 =	simm.s32 $_size__tile_overlayer_lowered;
	s5 =	simm.s32 $_tile_overlayer_lowered  }
0x9b: {  	s22 =	simm.s32 $0x1BFF;
	s21 =	sshll.u32 s5, $0x1;
	s2 =	sadd.s32 s19, s18  }
0x9c: {  	s6 =	simm.s32 $0x0;
	s20 =	sshll.u32 s4, $0x1;
	s4 =	sadd.s32 s21, s2  }
0x9d: {  	[timem:s6], [sflag:s22] =	dma.local [hbm:s4], s20  }
0x9e: {  	_ =	swait.ge [sflag:s22], s20  }
0x9f: {  	s3 =	ssub.s32 $0x0, s20;
	[sflag:s22] =	ssyncset.done $0x0  }
0xa0: {  	[sflag:s22] =	ssyncadd.s32 s3;
	_ =	sdelay $0x1  }
0xa1: {  	s23 =	simm.s32 $0x1B8B  }
0xa2: {  	_ =	swait.ge [sflag:s23], $0x1  }
0xa3: {  	[sflag:s23] =	ssyncset.done $0x0  }
0xa4: {  	s25 =	simm.s32 $0x1B8E;
	s24 =	sld [smem:$0x3FFE];
	[sflag:s23] =	ssyncadd.s32 $0xFFFFFFFF  }
0xa5: {  	s26 =	simm.s32 $execute0_lowered;
	[smem:$0x3FD2] =	sst s25  }
0xa6: {  	s4 =	sshll.u32 s26, $0x1;
	_ =	strace $0x80000046;
	[dreg:$0x1] =	wrdreg $0xFFFFFFFF  }
0xa7: {  	s28 =	simm.s32 $_size_execute0_lowered;
	s2 =	sadd.s32 s2, s4;
	[dreg:$0x0] =	wrdreg $0x0  }
0xa8: {  	s4 =	sshll.u32 s28, $0x1;
	[dreg:$0x2] =	wrdreg s2  }
0xa9: {  	[dreg:$0x3] =	wrdreg s4  }
0xaa: {  	[dreg:$0x4] =	wrdreg $0xC0  }
0xab: {  	_ =	task [dreg:s6], $0x5FFFF  }
0xac: {  	[dreg:$0x1] =	wrdreg $0xFFFFFFFF  }
0xad: {  	[dreg:$0x0] =	wrdreg $0x60  }
0xae: {  	[dreg:$0x2] =	wrdreg s24  }
0xaf: {  	[dreg:$0x3] =	wrdreg $0x68000  }
0xb0: {  	[dreg:$0x4] =	wrdreg $0x9  }
0xb1: {  	_ =	task.clear_ibuf [dreg:s6], $0x5FFFF;
	_ =	strace $0x90000046  }
0xb2: {  	s29 =	simm.s32 $0x9;
	_ =	strace $0x80000048  }
0xb3: {  	_ =	swait.ge [sflag:s29], $0x1  }
0xb4: {  	[sflag:s29] =	ssyncadd.s32 $0xFFFFFFFF  }
0xb5: {  	_ =	strace $0x90000048  }
0xb6: {  	_ =	sfence  }
0xb7: {  	s30 =	sld [smem:$0x0];
	_ =	sdelay $0x2  }
0xb8: {  	s31 =	sshll.u32 s1, $0xD;
	s1 =	sshrl.u32 s1, $0x2  }
0xb9: {  	s3 =	sand.u32 $0x4000, s31;
	s1 =	sadd.s32 s1, s30  }
0xba: {  	s0 =	sor.u32 s3, s0;
	s1 =	sshll.u32 s1, $0x11  }
0xbb: {  	s0 =	sor.u32 s1, s0  }
0xbc: {  	s0 =	sadd.s32 $0x8F2B, s0  }
0xbd: {  	[sflag:s0] =	ssyncadd.remote.s32 $0x1  }
0xbe: {  	_ =	sfence.sel $0xFFFF  }
0xbf: {  	[dreg:$0x0] =	wrdreg $0xFFFFFFFF;
	(pc) =	sbr.abs _section_cstart, $3  }
0xc0: {  	[dreg:$0x1] =	wrdreg $0xFFFFFFFF  }
0xc1: {  	_ =	task.clear_ibuf [dreg:s6], $0x2FFFF;
	_ =	strace $0x9FFFFFFF  }
0xc2: {  	(tm) =	ssettm $0x7FFFFFFF  }
0xc3: {  	_ =	shalt  }
tec
execute0_lowered:
.L_overlay_start_1:
0x0: {  	(tag) =	ssettag $0x1  }
0x1: {  	s7 =	rddreg [dreg:$0x0]  }
0x2: {  	s0 =	srdreg.scid;
	s2 =	rddreg [dreg:$0x1]  }
0x3: {  	s3 =	simm.s32 $0x0;
	s12 =	simm.s32 $0x2800;
	s6 =	sand.u32 $0x1, s0  }
0x4: {  	s13 =	simm.s32 $0x80;
	s0 =	stileid.u32;
	s5 =	smul.u32 $0x13C000, s6  }
0x5: {  	s14 =	simm.s32 $0x0;
	[smem:$0x7FF] =	sst s3;
	s8 =	smul.u32 $0x13C00, s0  }
0x6: {  	s1 =	sshll.u32 s6, $0x4;
	s10 =	smul.u32 $0x4F000, s0;
	s6 =	ssub.s32 $0x2, s6  }
0x7: {  	s31 =	sshll.u32 s0, $0x6;
	s1 =	sor.u32 s0, s1;
	s30 =	sshrl.u32 s6, $0x1  }
0x8: {  	s4 =	smul.u32 $0x500, s1;
	s1 =	rddreg [dreg:$0x2];
	_ =	strace $0x80000047  }
0x9: {  	s8 =	sadd.s32 s8, s5;
	s5 =	sadd.s32 $0x11200, s7;
	s10 =	sshrl.u32 s10, $0x2  }
0xa: {  	s11 =	ssub.s32 s6, s30;
	s6 =	sor.u32 $0x1C01, s31;
	s8 =	sshrl.u32 s8, $0x3  }
0xb: {  	s10 =	sadd.s32 s10, s2;
	s9 =	sadd.s32 s4, s7;
	s4 =	sadd.s32 $0xEA00, s7  }
0xc: {  	s8 =	sadd.s32 s8, s7;
	s10 =	sshrl.u32 s10, $0x3;
	s7 =	sadd.s32 $0x4A00, s9  }
0xd: {  	s8 =	sadd.s32 $0x11A00, s8;
	s9 =	smax.u32 s11, $0x1;
	s11 =	simm.s32 $0x1  }
.LBB2_1:
0xe: {  	[spmem:s10], [sflag:s6] =	dma.local [hbm:s4], $0x2780  }
0xf: {  	_ =	swait.ge [sflag:s11], $0x2780  }
0x10: {  	[sflag:s11] =	ssyncset.done $0x0  }
0x11: {  	[sflag:s11] =	ssyncadd.s32 $0xFFFFD880  }
0x12: {  	[tilespmem:s3], [sflag:$0x1] =	stream.linear.gather [hbm4b:s7+s3], $0x2780, $0x38;
	[tilespmem:$0x8F80] =	vst v63  }
0x13: {  	_ =	swait.ge [sflag:s11], $0x2780  }
0x14: {  	[sflag:s11] =	ssyncset.done $0x0  }
0x15: {  	[sflag:s11] =	ssyncadd.s32 $0xFFFFD880  }
0x16: {  	[tilespmem:s12], [sflag:$0x1] =	stream.linear.gather [hbm4b:s5+s3], $0x4000, $0x38;
	[tilespmem:$0x8F80] =	vst v63  }
0x17: {  	_ =	swait.ge [sflag:s11], $0x4000  }
0x18: {  	[sflag:s11] =	ssyncset.done $0x0  }
0x19: {  	[sflag:s11] =	ssyncadd.s32 $0xFFFFC000  }
0x1a: {  	s15 =	simm.s32 $0x0;
	[bflag:$0x0] =	sbarrier.arrive $0xFFFF  }
0x1b: {  	[spmem:s2] =	stream.indirect.scatter.add.f32 [tilespmem:s12], [sflag:$0x1], $0x10, s15, s13, $0xb8;
	[tilespmem:$0x8F80] =	vst v63  }
0x1c: {  	_ =	swait.ge [sflag:s11], $0x800  }
0x1d: {  	s15 =	simm.s32 $0x200;
	[sflag:s11] =	ssyncset.done $0x0  }
.LBB2_2:
0x1e: {  	s16 =	sshra.s32 s15, $0x2;
	[sflag:s11] =	ssyncadd.s32 $0xFFFFF800;
	p0 =	sne.s32 s15, $0x9C00  }
0x1f: {  	[spmem:s2] =	stream.indirect.scatter.add.f32 [tilespmem:s12], [sflag:$0x1], $0x10, s16, s13, $0xb8;
	[tilespmem:$0x8F80] =	vst v63  }
.Ltmp0:
0x20: {  	_ = 	snop;
	(pc) =	sbr.rel @p0 .LBB2_2-.Ltmp0, $4  }
0x21: {  	_ = 	snop  }
0x22: {  	s15 =	sadd.s32 $0x200, s15  }
0x23: {  	_ =	swait.ge [sflag:s11], $0x800  }
0x24: {  	[sflag:s11] =	ssyncset.done $0x0  }
0x25: {  	s14 =	sadd.s32 $0x1, s14  }
0x26: {  	[sflag:s11] =	ssyncadd.s32 $0xFFFFF800;
	p0 =	sne.s32 s14, s9  }
.Ltmp1:
0x27: {  	[bflag:$0x0] =	sbarrier.arrive $0xFFFF;
	(pc) =	sbr.rel @p0 .LBB2_1-.Ltmp1, $4  }
0x28: {  	[hbm:s8], [sflag:s6] =	dma.local [spmem:s10], $0x2780  }
0x29: {  	_ =	swait.ge [sflag:s11], $0x2780  }
0x2a: {  	[sflag:s11] =	ssyncset.done $0x0  }
0x2b: {  	[sflag:s11] =	ssyncadd.s32 $0xFFFFD880  }
0x2c: {  	_ =	sfence.sel $0x180000  }
0x2d: {  	[bflag:$0x0] =	sbarrier.arrive $0xFFFF  }
0x2e: {  	p0 =	sne.s32 s0, $0x0;
	_ =	strace $0x90000047  }
0x2f: {  	s0 =	sadd.s32 @!p0 $0x100000, s1;
	[bflag:$0x2] =	sbarrier.arrive $0xFFFF  }
0x30: {  	[sflag:s0] =	ssyncadd.tile.s32 @!p0 $0x1;
	_ =	shalt  }
.Lfunc_end2:
_tile_overlayer_lowered:
.L_overlay_start_2:
0x31: {  	(tag) =	ssettag $0x2  }
0x32: {  	s0 =	rddreg [dreg:$0x0];
	s2 =	stileid.u32  }
0x33: {  	s1 =	rddreg [dreg:$0x1];
	p0 =	sne.s32 s2, $0x0  }
0x34: {  	s3 =	rddreg [dreg:$0x2];
	[bflag:$0x3] =	sbarrier.arrive $0xFFFF;
	s2 =	simm.s32 @!p0 $0x1C01  }
0x35: {  	[timem:s3], [sflag:s2] =	dma.local @!p0 [hbm:s0], s1  }
0x36: {  	s0 =	simm.s32 @!p0 $0x1  }
0x37: {  	_ =	swait.ge @!p0 [sflag:s0], s1  }
0x38: {  	s1 =	ssub.s32 @!p0 $0x0, s1;
	[sflag:s0] =	ssyncset.done @!p0 $0x0  }
0x39: {  	[sflag:s0] =	ssyncadd.s32 @!p0 s1  }
0x3a: {  	[bflag:$0x3] =	sbarrier.arrive $0xFFFF  }
0x3b: {  	_ =	shalt  }

// kernel: kernel.14.cloned.1.call-start
scs
__scs_entry_jumppad:
0x0: {  	(pc) =	sbr.rel $0x88, $3  }
0x1: {  	(tag) =	ssettag $0x0;
	lr =	simm.s32 $0x1  }
0x2: {  	[smem:$0x3F8E] =	sst lr;
	_ =	strace $0xD0000000  }
0x3: {  	_ = 	snop  }
0x4: {  	_ = 	snop  }
0x5: {  	_ = 	snop  }
0x6: {  	_ = 	snop  }
0x7: {  	_ = 	snop  }
__scs_overlays_trampoline_lowered:
0x8: {  	[smem:$0x3F9D] =	sst s0  }
0x9: {  	[smem:$0x3F9E] =	sst s1  }
0xa: {  	[smem:$0x3F9F] =	sst s2  }
0xb: {  	[smem:$0x3FA0] =	sst s3  }
0xc: {  	[smem:$0x3FA1] =	sst s4  }
0xd: {  	[smem:$0x3FA2] =	sst s5  }
0xe: {  	[smem:$0x3FA3] =	sst s6  }
0xf: {  	[smem:$0x3FA4] =	sst s7  }
0x10: {  	[smem:$0x3FA5] =	sst s8  }
0x11: {  	[smem:$0x3FA6] =	sst s9;
	s0 =	simm.s32 @!p0 $0x0  }
0x12: {  	s1 =	sld [smem:$0x3F8C];
	s0 =	simm.s32 @p0 $0x1  }
0x13: {  	[smem:$0x3FA7] =	sst s0;
	s0 =	simm.s32 @!p1 $0x0  }
0x14: {  	s2 =	sld [smem:$0x3F8B];
	s0 =	simm.s32 @p1 $0x1  }
0x15: {  	[smem:$0x3FA8] =	sst s0;
	s0 =	simm.s32 @!p2 $0x0  }
0x16: {  	s3 =	sld [smem:$0x3FDB];
	s0 =	simm.s32 @p2 $0x1  }
0x17: {  	s4 =	simm.s32 $0x1BF5;
	[smem:$0x3FAA] =	sst s0  }
0x18: {  	s0 =	sld [smem:$0x3F8D];
	_ =	swait.ge [sflag:s4], $0x0  }
0x19: {  	s7 =	sld [smem:$0x3F8E]  }
0x1a: {  	s8 =	sadd.s32 $0xFFFFE003, lr  }
0x1b: {  	s9 =	sadd.s32 $0xFFFFFEF7, lr;
	s5 =	simm.s32 $0xFFFFFFFF;
	p2 =	slt.u32 s8, $0xFFFFF086  }
0x1c: {  	p1 =	slt.u32 s9, $0xF7A;
	s5 =	simm.s32 @!p2 $0x0  }
0x1d: {  	s5 =	simm.s32 @p1 $0x1;
	p0 =	seq.s32 s7, s2  }
0x1e: {  	s7 =	smul.u32 @!p0 $0xF7A, s2;
	p2 =	seq.s32 @!p0 s5, $0x0  }
0x1f: {  	s9 =	smul.u32 $0xF7A, s1;
	s8 =	simm.s32 @!p0 $0x1BF5;
	p2 =	por !p2, p0  }
0x20: {  	[sflag:s8] =	ssyncset.s32 @!p0 $0xFFFFF086;
	s6 =	sadd.s32 @!p0 s3, s7;
	s7 =	simm.s32 @!p0 $0x108  }
0x21: {  	s3 =	sadd.s32 s3, s9;
	s6 =	sadd.s32 @!p0 $0x88, s6;
	s7 =	simm.s32 @p2 $0x1082  }
0x22: {  	[simem:s7], [sflag:s8] =	dma.local @!p0 [hbm:s6], $0xF7A  }
0x23: {  	s9 =	sor.u32 $0xD0000000, s2;
	s6 =	simm.s32 $0x108;
	_ =	swait.ge @!p0 [sflag:s8], $0x0  }
0x24: {  	s3 =	sadd.s32 $0x88, s3;
	s6 =	simm.s32 @!p1 $0x1082;
	[sflag:s4] =	ssyncset.s32 $0xFFFFF086  }
0x25: {  	[simem:s6], [sflag:s4] =	dma.local [hbm:s3], $0xF7A  }
0x26: {  	[smem:$0x3F8E] =	sst s1;
	(tag) =	ssettag s2;
	_ =	strace s9  }
0x27: {  	s1 =	sld [smem:$0x3F9E]  }
0x28: {  	s2 =	sld [smem:$0x3F9F]  }
0x29: {  	s4 =	sld [smem:$0x3FA1]  }
0x2a: {  	p0 =	seq.s32 s5, $0x0;
	s5 =	sld [smem:$0x3FA2]  }
0x2b: {  	s6 =	sld [smem:$0x3FA3]  }
0x2c: {  	s7 =	sld [smem:$0x3FA4]  }
0x2d: {  	s3 =	simm.s32 $0x108;
	s8 =	sld [smem:$0x3FA5]  }
0x2e: {  	s3 =	simm.s32 @!p0 $0x1082;
	s9 =	sld [smem:$0x3FA6]  }
0x2f: {  	lr =	sadd.s32 s0, s3;
	s0 =	sld [smem:$0x3F9D]  }
0x30: {  	s3 =	sld [smem:$0x3FA0]  }
0x31: {  	[smem:$0x3FA9] =	sst s10  }
0x32: {  	s10 =	sld [smem:$0x3FA7];
	_ =	sdelay $0x3  }
0x33: {  	p0 =	seq.s32 s10, $0x1;
	s10 =	sld [smem:$0x3FA9];
	_ =	sdelay $0x3  }
0x34: {  	[smem:$0x3FA9] =	sst s10  }
0x35: {  	s10 =	sld [smem:$0x3FA8];
	_ =	sdelay $0x3  }
0x36: {  	p1 =	seq.s32 s10, $0x1;
	s10 =	sld [smem:$0x3FA9];
	_ =	sdelay $0x3  }
0x37: {  	[smem:$0x3FA9] =	sst s10  }
0x38: {  	s10 =	sld [smem:$0x3FAA]  }
0x39: {  	_ = 	snop;
	(pc) =	sbr.ind lr, $3  }
0x3a: {  	_ = 	snop  }
0x3b: {  	_ = 	snop  }
0x3c: {  	p2 =	seq.s32 s10, $0x1;
	s10 =	sld [smem:$0x3FA9]  }
0x3d: {  	_ =	shalt  }
0x3e: {  	_ =	shalt  }
0x3f: {  	_ =	shalt  }
0x40: {  	_ =	shalt  }
0x41: {  	_ =	shalt  }
0x42: {  	_ =	shalt  }
0x43: {  	_ =	shalt  }
0x44: {  	_ =	shalt  }
0x45: {  	_ =	shalt  }
0x46: {  	_ =	shalt  }
0x47: {  	_ =	shalt  }
0x48: {  	_ =	shalt  }
0x49: {  	_ =	shalt  }
0x4a: {  	_ =	shalt  }
0x4b: {  	_ =	shalt  }
0x4c: {  	_ =	shalt  }
0x4d: {  	_ =	shalt  }
0x4e: {  	_ =	shalt  }
0x4f: {  	_ =	shalt  }
0x50: {  	_ =	shalt  }
0x51: {  	_ =	shalt  }
0x52: {  	_ =	shalt  }
0x53: {  	_ =	shalt  }
0x54: {  	_ =	shalt  }
0x55: {  	_ =	shalt  }
0x56: {  	_ =	shalt  }
0x57: {  	_ =	shalt  }
0x58: {  	_ =	shalt  }
0x59: {  	_ =	shalt  }
0x5a: {  	_ =	shalt  }
0x5b: {  	_ =	shalt  }
0x5c: {  	_ =	shalt  }
0x5d: {  	_ =	shalt  }
0x5e: {  	_ =	shalt  }
0x5f: {  	_ =	shalt  }
0x60: {  	_ =	shalt  }
0x61: {  	_ =	shalt  }
0x62: {  	_ =	shalt  }
0x63: {  	_ =	shalt  }
0x64: {  	_ =	shalt  }
0x65: {  	_ =	shalt  }
0x66: {  	_ =	shalt  }
0x67: {  	_ =	shalt  }
0x68: {  	_ =	shalt  }
0x69: {  	_ =	shalt  }
0x6a: {  	_ =	shalt  }
0x6b: {  	_ =	shalt  }
0x6c: {  	_ =	shalt  }
0x6d: {  	_ =	shalt  }
0x6e: {  	_ =	shalt  }
0x6f: {  	_ =	shalt  }
0x70: {  	_ =	shalt  }
0x71: {  	_ =	shalt  }
0x72: {  	_ =	shalt  }
0x73: {  	_ =	shalt  }
0x74: {  	_ =	shalt  }
0x75: {  	_ =	shalt  }
0x76: {  	_ =	shalt  }
0x77: {  	_ =	shalt  }
0x78: {  	_ =	shalt  }
0x79: {  	_ =	shalt  }
0x7a: {  	_ =	shalt  }
0x7b: {  	_ =	shalt  }
0x7c: {  	_ =	shalt  }
0x7d: {  	_ =	shalt  }
0x7e: {  	_ =	shalt  }
0x7f: {  	_ =	shalt  }
0x80: {  	_ =	shalt  }
0x81: {  	_ =	shalt  }
0x82: {  	_ =	shalt  }
0x83: {  	_ =	shalt  }
0x84: {  	_ =	shalt  }
0x85: {  	_ =	shalt  }
0x86: {  	_ =	shalt  }
0x87: {  	_ =	shalt  }
.Lfunc_end0:
.L_simem_size_0:
called_computation.1_lowered:
.L_overlay_start_0:
0x88: {  	s2 =	sld [smem:$0x3FD9]  }
0x89: {  	s3 =	sld [smem:$0x3FFE];
	_ =	sdelay $0x1  }
0x8a: {  	s1 =	srdreg.scid  }
0x8b: {  	s0 =	sand.u32 $0x1, s1  }
0x8c: {  	s16 =	sshll.u32 s0, $0xA;
	s2 =	sadd.s32 s3, s2  }
0x8d: {  	s2 =	sadd.s32 s2, s16  }
0x8e: {  	[smem:$0x3FB5] =	sst s2  }
0x8f: {  	_ = 	snop  }
0x90: {  	(tm) =	ssettm $0x1  }
0x91: {  	s17 =	sld [smem:$0x3FFB];
	_ =	sdelay $0x3  }
0x92: {  	_ =	strace s17  }
0x93: {  	s2 =	sld [smem:$0x3FFC];
	_ =	sdelay $0x3  }
0x94: {  	_ =	strace s2  }
0x95: {  	s2 =	sld [smem:$0x3FFD];
	_ =	sdelay $0x3  }
0x96: {  	_ =	strace s2  }
0x97: {  	_ =	strace $0x8FFFFFFF  }
0x98: {  	s18 =	sld [smem:$0x3FDB];
	_ =	sdelay $0x1  }
0x99: {  	s19 =	simm.s32 $_scs_section_size  }
0x9a: {  	s4 =	simm.s32 $_size__tile_overlayer_lowered;
	s5 =	simm.s32 $_tile_overlayer_lowered  }
0x9b: {  	s22 =	simm.s32 $0x1BFF;
	s21 =	sshll.u32 s5, $0x1;
	s2 =	sadd.s32 s19, s18  }
0x9c: {  	s6 =	simm.s32 $0x0;
	s20 =	sshll.u32 s4, $0x1;
	s4 =	sadd.s32 s21, s2  }
0x9d: {  	[timem:s6], [sflag:s22] =	dma.local [hbm:s4], s20  }
0x9e: {  	_ =	swait.ge [sflag:s22], s20  }
0x9f: {  	s3 =	ssub.s32 $0x0, s20;
	[sflag:s22] =	ssyncset.done $0x0  }
0xa0: {  	[sflag:s22] =	ssyncadd.s32 s3;
	_ =	sdelay $0x1  }
0xa1: {  	s23 =	simm.s32 $0x1B8B  }
0xa2: {  	_ =	swait.ge [sflag:s23], $0x1  }
0xa3: {  	[sflag:s23] =	ssyncset.done $0x0  }
0xa4: {  	s25 =	simm.s32 $0x1B8E;
	s24 =	sld [smem:$0x3FFE];
	[sflag:s23] =	ssyncadd.s32 $0xFFFFFFFF  }
0xa5: {  	s26 =	simm.s32 $execute0_lowered;
	[smem:$0x3FD2] =	sst s25  }
0xa6: {  	s4 =	sshll.u32 s26, $0x1;
	_ =	strace $0x80000049;
	[dreg:$0x1] =	wrdreg $0xFFFFFFFF  }
0xa7: {  	s28 =	simm.s32 $_size_execute0_lowered;
	s2 =	sadd.s32 s2, s4;
	[dreg:$0x0] =	wrdreg $0x0  }
0xa8: {  	s4 =	sshll.u32 s28, $0x1;
	[dreg:$0x2] =	wrdreg s2  }
0xa9: {  	[dreg:$0x3] =	wrdreg s4  }
0xaa: {  	[dreg:$0x4] =	wrdreg $0xC0  }
0xab: {  	_ =	task [dreg:s6], $0x5FFFF  }
0xac: {  	[dreg:$0x1] =	wrdreg $0xFFFFFFFF  }
0xad: {  	[dreg:$0x0] =	wrdreg $0x60  }
0xae: {  	[dreg:$0x2] =	wrdreg s24  }
0xaf: {  	[dreg:$0x3] =	wrdreg $0x90000  }
0xb0: {  	[dreg:$0x4] =	wrdreg $0x9  }
0xb1: {  	_ =	task.clear_ibuf [dreg:s6], $0x5FFFF;
	_ =	strace $0x90000049  }
0xb2: {  	s29 =	simm.s32 $0x9;
	_ =	strace $0x8000004B  }
0xb3: {  	_ =	swait.ge [sflag:s29], $0x1  }
0xb4: {  	[sflag:s29] =	ssyncadd.s32 $0xFFFFFFFF  }
0xb5: {  	_ =	strace $0x9000004B  }
0xb6: {  	_ =	sfence  }
0xb7: {  	s30 =	sld [smem:$0x0];
	_ =	sdelay $0x2  }
0xb8: {  	s31 =	sshll.u32 s1, $0xD;
	s1 =	sshrl.u32 s1, $0x2  }
0xb9: {  	s3 =	sand.u32 $0x4000, s31;
	s1 =	sadd.s32 s1, s30  }
0xba: {  	s0 =	sor.u32 s3, s0;
	s1 =	sshll.u32 s1, $0x11  }
0xbb: {  	s0 =	sor.u32 s1, s0  }
0xbc: {  	s0 =	sadd.s32 $0x8F2B, s0  }
0xbd: {  	[sflag:s0] =	ssyncadd.remote.s32 $0x1  }
0xbe: {  	_ =	sfence.sel $0xFFFF  }
0xbf: {  	[dreg:$0x0] =	wrdreg $0xFFFFFFFF;
	(pc) =	sbr.abs _section_cstart, $3  }
0xc0: {  	[dreg:$0x1] =	wrdreg $0xFFFFFFFF  }
0xc1: {  	_ =	task.clear_ibuf [dreg:s6], $0x2FFFF;
	_ =	strace $0x9FFFFFFF  }
0xc2: {  	(tm) =	ssettm $0x7FFFFFFF  }
0xc3: {  	_ =	shalt  }
tec
execute0_lowered:
.L_overlay_start_1:
0x0: {  	(tag) =	ssettag $0x1  }
0x1: {  	s7 =	rddreg [dreg:$0x0]  }
0x2: {  	s0 =	srdreg.scid;
	s2 =	rddreg [dreg:$0x1]  }
0x3: {  	s3 =	simm.s32 $0x0;
	s14 =	simm.s32 $0x80;
	s15 =	simm.s32 $0x5000  }
0x4: {  	s16 =	simm.s32 $0x1;
	s6 =	sand.u32 $0x1, s0;
	s0 =	stileid.u32  }
0x5: {  	s17 =	simm.s32 $0x0;
	[smem:$0x7FF] =	sst s3;
	s8 =	smul.u32 $0x13C000, s6  }
0x6: {  	s4 =	sadd.s32 $0x6AA00, s7;
	s1 =	sshll.u32 s6, $0x4;
	s9 =	smul.u32 $0x13C00, s0  }
0x7: {  	s28 =	smul.u32 $0x4F000, s0;
	s6 =	ssub.s32 $0x2, s6;
	s1 =	sor.u32 s0, s1  }
0x8: {  	s31 =	sshll.u32 s0, $0x6;
	s29 =	sshrl.u32 s6, $0x1;
	s5 =	smul.u32 $0x500, s1  }
0x9: {  	s1 =	rddreg [dreg:$0x2];
	_ =	strace $0x8000004A;
	s8 =	sadd.s32 s9, s8  }
0xa: {  	s30 =	sshrl.u32 s28, $0x2;
	s12 =	ssub.s32 s6, s29;
	s6 =	sor.u32 $0x1C02, s31  }
0xb: {  	s8 =	sshrl.u32 s8, $0x3;
	s13 =	sadd.s32 s30, s2;
	s10 =	sadd.s32 s5, s7  }
0xc: {  	s5 =	sadd.s32 $0xEA00, s7;
	s11 =	sadd.s32 s8, s7;
	s7 =	sadd.s32 $0x60A00, s10  }
0xd: {  	s8 =	sadd.s32 $0x4A00, s10;
	s9 =	sadd.s32 $0x92200, s11;
	s10 =	smax.u32 s12, $0x1  }
0xe: {  	s11 =	sshrl.u32 s13, $0x3;
	s12 =	simm.s32 $0x2;
	s13 =	simm.s32 $0x2800  }
.LBB2_1:
0xf: {  	[spmem:s11], [sflag:s6] =	dma.local [hbm:s5], $0x2780  }
0x10: {  	_ =	swait.ge [sflag:s12], $0x2780  }
0x11: {  	[sflag:s12] =	ssyncset.done $0x0  }
0x12: {  	[sflag:s12] =	ssyncadd.s32 $0xFFFFD880  }
0x13: {  	[tilespmem:s3], [sflag:$0x2] =	stream.linear.gather [hbm4b:s7+s3], $0x2780, $0x38;
	[tilespmem:$0x1CC00] =	vst v63  }
0x14: {  	_ =	swait.ge [sflag:s12], $0x2780  }
0x15: {  	[sflag:s12] =	ssyncset.done $0x0  }
0x16: {  	[sflag:s12] =	ssyncadd.s32 $0xFFFFD880  }
0x17: {  	[tilespmem:s13], [sflag:$0x2] =	stream.linear.gather [hbm4b:s8+s3], $0x2780, $0x38;
	[tilespmem:$0x1CC00] =	vst v63  }
0x18: {  	_ =	swait.ge [sflag:s12], $0x2780  }
0x19: {  	[sflag:s12] =	ssyncset.done $0x0  }
0x1a: {  	[sflag:s12] =	ssyncadd.s32 $0xFFFFD880  }
0x1b: {  	s18 =	simm.s32 $0x0;
	[bflag:$0x0] =	sbarrier.arrive $0xFFFF  }
0x1c: {  	[tilespmem:s15], [sflag:$0x1] =	stream.indirect.gather [hbm4b:s4+s14], $0x80, s18, s14, $0xb8;
	[tilespmem:$0x1CC00] =	vst v63  }
0x1d: {  	_ =	swait.ge [sflag:s16], $0x4000  }
0x1e: {  	[sflag:s16] =	ssyncset.done $0x0  }
0x1f: {  	s31 =	simm.s32 $0x2800;
	[sflag:s16] =	ssyncadd.s32 $0xFFFFC000  }
0x20: {  	[spmem:s2] =	stream.indirect.scatter.add.f32 [tilespmem:s15], [sflag:$0x2], $0x80, s31, s14, $0xb8;
	[tilespmem:$0x1CC00] =	vst v63  }
0x21: {  	_ =	swait.ge [sflag:s12], $0x4000  }
0x22: {  	s19 =	simm.s32 $0x400;
	s18 =	simm.s32 $0x200;
	[sflag:s12] =	ssyncset.done $0x0  }
.LBB2_2:
0x23: {  	s20 =	sshra.s32 s18, $0x2  }
0x24: {  	[sflag:s12] =	ssyncadd.s32 $0xFFFFC000;
	s18 =	smov.u32 s19;
	s21 =	sadd.s32 $0x200, s19  }
0x25: {  	[tilespmem:s15], [sflag:$0x1] =	stream.indirect.gather [hbm4b:s4+s14], $0x80, s20, s14, $0xb8;
	[tilespmem:$0x1CC00] =	vst v63  }
0x26: {  	p0 =	sne.s32 s19, $0x9C00;
	_ =	swait.ge [sflag:s16], $0x4000  }
.Ltmp0:
0x27: {  	[sflag:s16] =	ssyncset.done $0x0;
	(pc) =	sbr.rel @p0 .LBB2_2-.Ltmp0, $4  }
0x28: {  	s19 =	sadd.s32 $0x2800, s20;
	[sflag:s16] =	ssyncadd.s32 $0xFFFFC000  }
0x29: {  	[spmem:s2] =	stream.indirect.scatter.add.f32 [tilespmem:s15], [sflag:$0x2], $0x80, s19, s14, $0xb8;
	[tilespmem:$0x1CC00] =	vst v63  }
0x2a: {  	_ =	swait.ge [sflag:s12], $0x4000  }
0x2b: {  	s19 =	smov.u32 s21;
	[sflag:s12] =	ssyncset.done $0x0  }
0x2c: {  	s18 =	sshra.s32 s18, $0x2;
	[sflag:s12] =	ssyncadd.s32 $0xFFFFC000  }
0x2d: {  	[tilespmem:s15], [sflag:$0x1] =	stream.indirect.gather [hbm4b:s4+s14], $0x80, s18, s14, $0xb8;
	[tilespmem:$0x1CC00] =	vst v63  }
0x2e: {  	_ =	swait.ge [sflag:s16], $0x4000  }
0x2f: {  	[sflag:s16] =	ssyncset.done $0x0  }
0x30: {  	s18 =	sadd.s32 $0x2800, s18;
	[sflag:s16] =	ssyncadd.s32 $0xFFFFC000  }
0x31: {  	[spmem:s2] =	stream.indirect.scatter.add.f32 [tilespmem:s15], [sflag:$0x2], $0x80, s18, s14, $0xb8;
	[tilespmem:$0x1CC00] =	vst v63  }
0x32: {  	_ =	swait.ge [sflag:s12], $0x4000  }
0x33: {  	s17 =	sadd.s32 $0x1, s17;
	[sflag:s12] =	ssyncset.done $0x0  }
0x34: {  	p0 =	sne.s32 s17, s10;
	[sflag:s12] =	ssyncadd.s32 $0xFFFFC000  }
.Ltmp1:
0x35: {  	[bflag:$0x0] =	sbarrier.arrive $0xFFFF;
	(pc) =	sbr.rel @p0 .LBB2_1-.Ltmp1, $4  }
0x36: {  	[hbm:s9], [sflag:s6] =	dma.local [spmem:s11], $0x2780  }
0x37: {  	_ =	swait.ge [sflag:s12], $0x2780  }
0x38: {  	[sflag:s12] =	ssyncset.done $0x0  }
0x39: {  	[sflag:s12] =	ssyncadd.s32 $0xFFFFD880  }
0x3a: {  	_ =	sfence.sel $0x180000  }
0x3b: {  	[bflag:$0x0] =	sbarrier.arrive $0xFFFF  }
0x3c: {  	p0 =	sne.s32 s0, $0x0;
	_ =	strace $0x9000004A  }
0x3d: {  	s0 =	sadd.s32 @!p0 $0x100000, s1;
	[bflag:$0x2] =	sbarrier.arrive $0xFFFF  }
0x3e: {  	[sflag:s0] =	ssyncadd.tile.s32 @!p0 $0x1;
	_ =	shalt  }
.Lfunc_end2:
_tile_overlayer_lowered:
.L_overlay_start_2:
0x3f: {  	(tag) =	ssettag $0x2  }
0x40: {  	s0 =	rddreg [dreg:$0x0];
	s2 =	stileid.u32  }
0x41: {  	s1 =	rddreg [dreg:$0x1];
	p0 =	sne.s32 s2, $0x0  }
0x42: {  	s3 =	rddreg [dreg:$0x2];
	[bflag:$0x3] =	sbarrier.arrive $0xFFFF;
	s2 =	simm.s32 @!p0 $0x1C02  }
0x43: {  	[timem:s3], [sflag:s2] =	dma.local @!p0 [hbm:s0], s1  }
0x44: {  	s0 =	simm.s32 @!p0 $0x2  }
0x45: {  	_ =	swait.ge @!p0 [sflag:s0], s1  }
0x46: {  	s1 =	ssub.s32 @!p0 $0x0, s1;
	[sflag:s0] =	ssyncset.done @!p0 $0x0  }
0x47: {  	[sflag:s0] =	ssyncadd.s32 @!p0 s1  }
0x48: {  	[bflag:$0x3] =	sbarrier.arrive $0xFFFF  }
0x49: {  	_ =	shalt  }

// kernel: kernel.17.cloned.1.call-start
scs
__scs_entry_jumppad:
0x0: {  	(pc) =	sbr.rel $0x88, $3  }
0x1: {  	(tag) =	ssettag $0x0;
	lr =	simm.s32 $0x1  }
0x2: {  	[smem:$0x3F8E] =	sst lr;
	_ =	strace $0xD0000000  }
0x3: {  	_ = 	snop  }
0x4: {  	_ = 	snop  }
0x5: {  	_ = 	snop  }
0x6: {  	_ = 	snop  }
0x7: {  	_ = 	snop  }
__scs_overlays_trampoline_lowered:
0x8: {  	[smem:$0x3F9D] =	sst s0  }
0x9: {  	[smem:$0x3F9E] =	sst s1  }
0xa: {  	[smem:$0x3F9F] =	sst s2  }
0xb: {  	[smem:$0x3FA0] =	sst s3  }
0xc: {  	[smem:$0x3FA1] =	sst s4  }
0xd: {  	[smem:$0x3FA2] =	sst s5  }
0xe: {  	[smem:$0x3FA3] =	sst s6  }
0xf: {  	[smem:$0x3FA4] =	sst s7  }
0x10: {  	[smem:$0x3FA5] =	sst s8  }
0x11: {  	[smem:$0x3FA6] =	sst s9;
	s0 =	simm.s32 @!p0 $0x0  }
0x12: {  	s1 =	sld [smem:$0x3F8C];
	s0 =	simm.s32 @p0 $0x1  }
0x13: {  	[smem:$0x3FA7] =	sst s0;
	s0 =	simm.s32 @!p1 $0x0  }
0x14: {  	s2 =	sld [smem:$0x3F8B];
	s0 =	simm.s32 @p1 $0x1  }
0x15: {  	[smem:$0x3FA8] =	sst s0;
	s0 =	simm.s32 @!p2 $0x0  }
0x16: {  	s3 =	sld [smem:$0x3FDB];
	s0 =	simm.s32 @p2 $0x1  }
0x17: {  	s4 =	simm.s32 $0x1BF5;
	[smem:$0x3FAA] =	sst s0  }
0x18: {  	s0 =	sld [smem:$0x3F8D];
	_ =	swait.ge [sflag:s4], $0x0  }
0x19: {  	s7 =	sld [smem:$0x3F8E]  }
0x1a: {  	s8 =	sadd.s32 $0xFFFFE003, lr  }
0x1b: {  	s9 =	sadd.s32 $0xFFFFFEF7, lr;
	s5 =	simm.s32 $0xFFFFFFFF;
	p2 =	slt.u32 s8, $0xFFFFF086  }
0x1c: {  	p1 =	slt.u32 s9, $0xF7A;
	s5 =	simm.s32 @!p2 $0x0  }
0x1d: {  	s5 =	simm.s32 @p1 $0x1;
	p0 =	seq.s32 s7, s2  }
0x1e: {  	s7 =	smul.u32 @!p0 $0xF7A, s2;
	p2 =	seq.s32 @!p0 s5, $0x0  }
0x1f: {  	s9 =	smul.u32 $0xF7A, s1;
	s8 =	simm.s32 @!p0 $0x1BF5;
	p2 =	por !p2, p0  }
0x20: {  	[sflag:s8] =	ssyncset.s32 @!p0 $0xFFFFF086;
	s6 =	sadd.s32 @!p0 s3, s7;
	s7 =	simm.s32 @!p0 $0x108  }
0x21: {  	s3 =	sadd.s32 s3, s9;
	s6 =	sadd.s32 @!p0 $0x88, s6;
	s7 =	simm.s32 @p2 $0x1082  }
0x22: {  	[simem:s7], [sflag:s8] =	dma.local @!p0 [hbm:s6], $0xF7A  }
0x23: {  	s9 =	sor.u32 $0xD0000000, s2;
	s6 =	simm.s32 $0x108;
	_ =	swait.ge @!p0 [sflag:s8], $0x0  }
0x24: {  	s3 =	sadd.s32 $0x88, s3;
	s6 =	simm.s32 @!p1 $0x1082;
	[sflag:s4] =	ssyncset.s32 $0xFFFFF086  }
0x25: {  	[simem:s6], [sflag:s4] =	dma.local [hbm:s3], $0xF7A  }
0x26: {  	[smem:$0x3F8E] =	sst s1;
	(tag) =	ssettag s2;
	_ =	strace s9  }
0x27: {  	s1 =	sld [smem:$0x3F9E]  }
0x28: {  	s2 =	sld [smem:$0x3F9F]  }
0x29: {  	s4 =	sld [smem:$0x3FA1]  }
0x2a: {  	p0 =	seq.s32 s5, $0x0;
	s5 =	sld [smem:$0x3FA2]  }
0x2b: {  	s6 =	sld [smem:$0x3FA3]  }
0x2c: {  	s7 =	sld [smem:$0x3FA4]  }
0x2d: {  	s3 =	simm.s32 $0x108;
	s8 =	sld [smem:$0x3FA5]  }
0x2e: {  	s3 =	simm.s32 @!p0 $0x1082;
	s9 =	sld [smem:$0x3FA6]  }
0x2f: {  	lr =	sadd.s32 s0, s3;
	s0 =	sld [smem:$0x3F9D]  }
0x30: {  	s3 =	sld [smem:$0x3FA0]  }
0x31: {  	[smem:$0x3FA9] =	sst s10  }
0x32: {  	s10 =	sld [smem:$0x3FA7];
	_ =	sdelay $0x3  }
0x33: {  	p0 =	seq.s32 s10, $0x1;
	s10 =	sld [smem:$0x3FA9];
	_ =	sdelay $0x3  }
0x34: {  	[smem:$0x3FA9] =	sst s10  }
0x35: {  	s10 =	sld [smem:$0x3FA8];
	_ =	sdelay $0x3  }
0x36: {  	p1 =	seq.s32 s10, $0x1;
	s10 =	sld [smem:$0x3FA9];
	_ =	sdelay $0x3  }
0x37: {  	[smem:$0x3FA9] =	sst s10  }
0x38: {  	s10 =	sld [smem:$0x3FAA]  }
0x39: {  	_ = 	snop;
	(pc) =	sbr.ind lr, $3  }
0x3a: {  	_ = 	snop  }
0x3b: {  	_ = 	snop  }
0x3c: {  	p2 =	seq.s32 s10, $0x1;
	s10 =	sld [smem:$0x3FA9]  }
0x3d: {  	_ =	shalt  }
0x3e: {  	_ =	shalt  }
0x3f: {  	_ =	shalt  }
0x40: {  	_ =	shalt  }
0x41: {  	_ =	shalt  }
0x42: {  	_ =	shalt  }
0x43: {  	_ =	shalt  }
0x44: {  	_ =	shalt  }
0x45: {  	_ =	shalt  }
0x46: {  	_ =	shalt  }
0x47: {  	_ =	shalt  }
0x48: {  	_ =	shalt  }
0x49: {  	_ =	shalt  }
0x4a: {  	_ =	shalt  }
0x4b: {  	_ =	shalt  }
0x4c: {  	_ =	shalt  }
0x4d: {  	_ =	shalt  }
0x4e: {  	_ =	shalt  }
0x4f: {  	_ =	shalt  }
0x50: {  	_ =	shalt  }
0x51: {  	_ =	shalt  }
0x52: {  	_ =	shalt  }
0x53: {  	_ =	shalt  }
0x54: {  	_ =	shalt  }
0x55: {  	_ =	shalt  }
0x56: {  	_ =	shalt  }
0x57: {  	_ =	shalt  }
0x58: {  	_ =	shalt  }
0x59: {  	_ =	shalt  }
0x5a: {  	_ =	shalt  }
0x5b: {  	_ =	shalt  }
0x5c: {  	_ =	shalt  }
0x5d: {  	_ =	shalt  }
0x5e: {  	_ =	shalt  }
0x5f: {  	_ =	shalt  }
0x60: {  	_ =	shalt  }
0x61: {  	_ =	shalt  }
0x62: {  	_ =	shalt  }
0x63: {  	_ =	shalt  }
0x64: {  	_ =	shalt  }
0x65: {  	_ =	shalt  }
0x66: {  	_ =	shalt  }
0x67: {  	_ =	shalt  }
0x68: {  	_ =	shalt  }
0x69: {  	_ =	shalt  }
0x6a: {  	_ =	shalt  }
0x6b: {  	_ =	shalt  }
0x6c: {  	_ =	shalt  }
0x6d: {  	_ =	shalt  }
0x6e: {  	_ =	shalt  }
0x6f: {  	_ =	shalt  }
0x70: {  	_ =	shalt  }
0x71: {  	_ =	shalt  }
0x72: {  	_ =	shalt  }
0x73: {  	_ =	shalt  }
0x74: {  	_ =	shalt  }
0x75: {  	_ =	shalt  }
0x76: {  	_ =	shalt  }
0x77: {  	_ =	shalt  }
0x78: {  	_ =	shalt  }
0x79: {  	_ =	shalt  }
0x7a: {  	_ =	shalt  }
0x7b: {  	_ =	shalt  }
0x7c: {  	_ =	shalt  }
0x7d: {  	_ =	shalt  }
0x7e: {  	_ =	shalt  }
0x7f: {  	_ =	shalt  }
0x80: {  	_ =	shalt  }
0x81: {  	_ =	shalt  }
0x82: {  	_ =	shalt  }
0x83: {  	_ =	shalt  }
0x84: {  	_ =	shalt  }
0x85: {  	_ =	shalt  }
0x86: {  	_ =	shalt  }
0x87: {  	_ =	shalt  }
.Lfunc_end0:
.L_simem_size_0:
called_computation.2_lowered:
.L_overlay_start_0:
0x88: {  	s2 =	sld [smem:$0x3FD9]  }
0x89: {  	s3 =	sld [smem:$0x3FFE];
	_ =	sdelay $0x1  }
0x8a: {  	s1 =	srdreg.scid  }
0x8b: {  	s0 =	sand.u32 $0x1, s1  }
0x8c: {  	s16 =	sshll.u32 s0, $0xA;
	s2 =	sadd.s32 s3, s2  }
0x8d: {  	s2 =	sadd.s32 s2, s16  }
0x8e: {  	[smem:$0x3FB5] =	sst s2  }
0x8f: {  	_ = 	snop  }
0x90: {  	(tm) =	ssettm $0x1  }
0x91: {  	s17 =	sld [smem:$0x3FFB];
	_ =	sdelay $0x3  }
0x92: {  	_ =	strace s17  }
0x93: {  	s2 =	sld [smem:$0x3FFC];
	_ =	sdelay $0x3  }
0x94: {  	_ =	strace s2  }
0x95: {  	s2 =	sld [smem:$0x3FFD];
	_ =	sdelay $0x3  }
0x96: {  	_ =	strace s2  }
0x97: {  	_ =	strace $0x8FFFFFFF  }
0x98: {  	s18 =	sld [smem:$0x3FDB];
	_ =	sdelay $0x1  }
0x99: {  	s19 =	simm.s32 $_scs_section_size  }
0x9a: {  	s4 =	simm.s32 $_size__tile_overlayer_lowered;
	s5 =	simm.s32 $_tile_overlayer_lowered  }
0x9b: {  	s22 =	simm.s32 $0x1BFF;
	s21 =	sshll.u32 s5, $0x1;
	s2 =	sadd.s32 s19, s18  }
0x9c: {  	s6 =	simm.s32 $0x0;
	s20 =	sshll.u32 s4, $0x1;
	s4 =	sadd.s32 s21, s2  }
0x9d: {  	[timem:s6], [sflag:s22] =	dma.local [hbm:s4], s20  }
0x9e: {  	_ =	swait.ge [sflag:s22], s20  }
0x9f: {  	s3 =	ssub.s32 $0x0, s20;
	[sflag:s22] =	ssyncset.done $0x0  }
0xa0: {  	[sflag:s22] =	ssyncadd.s32 s3;
	_ =	sdelay $0x1  }
0xa1: {  	s23 =	simm.s32 $0x1B8B  }
0xa2: {  	_ =	swait.ge [sflag:s23], $0x1  }
0xa3: {  	[sflag:s23] =	ssyncset.done $0x0  }
0xa4: {  	s25 =	simm.s32 $0x1B8E;
	s24 =	sld [smem:$0x3FFE];
	[sflag:s23] =	ssyncadd.s32 $0xFFFFFFFF  }
0xa5: {  	s26 =	simm.s32 $execute0_lowered;
	[smem:$0x3FD2] =	sst s25  }
0xa6: {  	s4 =	sshll.u32 s26, $0x1;
	_ =	strace $0x8000004C;
	[dreg:$0x1] =	wrdreg $0xFFFFFFFF  }
0xa7: {  	s28 =	simm.s32 $_size_execute0_lowered;
	s2 =	sadd.s32 s2, s4;
	[dreg:$0x0] =	wrdreg $0x0  }
0xa8: {  	s4 =	sshll.u32 s28, $0x1;
	[dreg:$0x2] =	wrdreg s2  }
0xa9: {  	[dreg:$0x3] =	wrdreg s4  }
0xaa: {  	[dreg:$0x4] =	wrdreg $0xC0  }
0xab: {  	_ =	task [dreg:s6], $0x5FFFF  }
0xac: {  	[dreg:$0x1] =	wrdreg $0xFFFFFFFF  }
0xad: {  	[dreg:$0x0] =	wrdreg $0x60  }
0xae: {  	[dreg:$0x2] =	wrdreg s24  }
0xaf: {  	[dreg:$0x3] =	wrdreg $0x90000  }
0xb0: {  	[dreg:$0x4] =	wrdreg $0x9  }
0xb1: {  	_ =	task.clear_ibuf [dreg:s6], $0x5FFFF;
	_ =	strace $0x9000004C  }
0xb2: {  	s29 =	simm.s32 $0x9;
	_ =	strace $0x8000004E  }
0xb3: {  	_ =	swait.ge [sflag:s29], $0x1  }
0xb4: {  	[sflag:s29] =	ssyncadd.s32 $0xFFFFFFFF  }
0xb5: {  	_ =	strace $0x9000004E  }
0xb6: {  	_ =	sfence  }
0xb7: {  	s30 =	sld [smem:$0x0];
	_ =	sdelay $0x2  }
0xb8: {  	s31 =	sshll.u32 s1, $0xD;
	s1 =	sshrl.u32 s1, $0x2  }
0xb9: {  	s3 =	sand.u32 $0x4000, s31;
	s1 =	sadd.s32 s1, s30  }
0xba: {  	s0 =	sor.u32 s3, s0;
	s1 =	sshll.u32 s1, $0x11  }
0xbb: {  	s0 =	sor.u32 s1, s0  }
0xbc: {  	s0 =	sadd.s32 $0x8F2B, s0  }
0xbd: {  	[sflag:s0] =	ssyncadd.remote.s32 $0x1  }
0xbe: {  	_ =	sfence.sel $0xFFFF  }
0xbf: {  	[dreg:$0x0] =	wrdreg $0xFFFFFFFF;
	(pc) =	sbr.abs _section_cstart, $3  }
0xc0: {  	[dreg:$0x1] =	wrdreg $0xFFFFFFFF  }
0xc1: {  	_ =	task.clear_ibuf [dreg:s6], $0x2FFFF;
	_ =	strace $0x9FFFFFFF  }
0xc2: {  	(tm) =	ssettm $0x7FFFFFFF  }
0xc3: {  	_ =	shalt  }
tec
execute0_lowered:
.L_overlay_start_1:
0x0: {  	(tag) =	ssettag $0x1  }
0x1: {  	s7 =	rddreg [dreg:$0x0]  }
0x2: {  	s0 =	srdreg.scid;
	s2 =	rddreg [dreg:$0x1]  }
0x3: {  	s3 =	simm.s32 $0x0;
	s14 =	simm.s32 $0x80;
	s15 =	simm.s32 $0x5000  }
0x4: {  	s16 =	simm.s32 $0x1;
	s6 =	sand.u32 $0x1, s0;
	s0 =	stileid.u32  }
0x5: {  	s17 =	simm.s32 $0x0;
	[smem:$0x7FF] =	sst s3;
	s8 =	smul.u32 $0x13C000, s6  }
0x6: {  	s4 =	sadd.s32 $0x6AA00, s7;
	s1 =	sshll.u32 s6, $0x4;
	s9 =	smul.u32 $0x13C00, s0  }
0x7: {  	s28 =	smul.u32 $0x4F000, s0;
	s6 =	ssub.s32 $0x2, s6;
	s1 =	sor.u32 s0, s1  }
0x8: {  	s31 =	sshll.u32 s0, $0x6;
	s29 =	sshrl.u32 s6, $0x1;
	s5 =	smul.u32 $0x500, s1  }
0x9: {  	s1 =	rddreg [dreg:$0x2];
	_ =	strace $0x8000004D;
	s8 =	sadd.s32 s9, s8  }
0xa: {  	s30 =	sshrl.u32 s28, $0x2;
	s12 =	ssub.s32 s6, s29;
	s6 =	sor.u32 $0x1C02, s31  }
0xb: {  	s8 =	sshrl.u32 s8, $0x3;
	s13 =	sadd.s32 s30, s2;
	s10 =	sadd.s32 s5, s7  }
0xc: {  	s5 =	sadd.s32 $0xEA00, s7;
	s11 =	sadd.s32 s8, s7;
	s7 =	sadd.s32 $0x60A00, s10  }
0xd: {  	s8 =	sadd.s32 $0x4A00, s10;
	s9 =	sadd.s32 $0x92200, s11;
	s10 =	smax.u32 s12, $0x1  }
0xe: {  	s11 =	sshrl.u32 s13, $0x3;
	s12 =	simm.s32 $0x2;
	s13 =	simm.s32 $0x2800  }
.LBB2_1:
0xf: {  	[spmem:s11], [sflag:s6] =	dma.local [hbm:s5], $0x2780  }
0x10: {  	_ =	swait.ge [sflag:s12], $0x2780  }
0x11: {  	[sflag:s12] =	ssyncset.done $0x0  }
0x12: {  	[sflag:s12] =	ssyncadd.s32 $0xFFFFD880  }
0x13: {  	[tilespmem:s3], [sflag:$0x2] =	stream.linear.gather [hbm4b:s7+s3], $0x2780, $0x38;
	[tilespmem:$0x1CC00] =	vst v63  }
0x14: {  	_ =	swait.ge [sflag:s12], $0x2780  }
0x15: {  	[sflag:s12] =	ssyncset.done $0x0  }
0x16: {  	[sflag:s12] =	ssyncadd.s32 $0xFFFFD880  }
0x17: {  	[tilespmem:s13], [sflag:$0x2] =	stream.linear.gather [hbm4b:s8+s3], $0x2780, $0x38;
	[tilespmem:$0x1CC00] =	vst v63  }
0x18: {  	_ =	swait.ge [sflag:s12], $0x2780  }
0x19: {  	[sflag:s12] =	ssyncset.done $0x0  }
0x1a: {  	[sflag:s12] =	ssyncadd.s32 $0xFFFFD880  }
0x1b: {  	s18 =	simm.s32 $0x0;
	[bflag:$0x0] =	sbarrier.arrive $0xFFFF  }
0x1c: {  	[tilespmem:s15], [sflag:$0x1] =	stream.indirect.gather [hbm4b:s4+s14], $0x80, s18, s14, $0xb8;
	[tilespmem:$0x1CC00] =	vst v63  }
0x1d: {  	_ =	swait.ge [sflag:s16], $0x4000  }
0x1e: {  	[sflag:s16] =	ssyncset.done $0x0  }
0x1f: {  	s31 =	simm.s32 $0x2800;
	[sflag:s16] =	ssyncadd.s32 $0xFFFFC000  }
0x20: {  	[spmem:s2] =	stream.indirect.scatter.add.f32 [tilespmem:s15], [sflag:$0x2], $0x80, s31, s14, $0xb8;
	[tilespmem:$0x1CC00] =	vst v63  }
0x21: {  	_ =	swait.ge [sflag:s12], $0x4000  }
0x22: {  	s19 =	simm.s32 $0x400;
	s18 =	simm.s32 $0x200;
	[sflag:s12] =	ssyncset.done $0x0  }
.LBB2_2:
0x23: {  	s20 =	sshra.s32 s18, $0x2  }
0x24: {  	[sflag:s12] =	ssyncadd.s32 $0xFFFFC000;
	s18 =	smov.u32 s19;
	s21 =	sadd.s32 $0x200, s19  }
0x25: {  	[tilespmem:s15], [sflag:$0x1] =	stream.indirect.gather [hbm4b:s4+s14], $0x80, s20, s14, $0xb8;
	[tilespmem:$0x1CC00] =	vst v63  }
0x26: {  	p0 =	sne.s32 s19, $0x9C00;
	_ =	swait.ge [sflag:s16], $0x4000  }
.Ltmp0:
0x27: {  	[sflag:s16] =	ssyncset.done $0x0;
	(pc) =	sbr.rel @p0 .LBB2_2-.Ltmp0, $4  }
0x28: {  	s19 =	sadd.s32 $0x2800, s20;
	[sflag:s16] =	ssyncadd.s32 $0xFFFFC000  }
0x29: {  	[spmem:s2] =	stream.indirect.scatter.add.f32 [tilespmem:s15], [sflag:$0x2], $0x80, s19, s14, $0xb8;
	[tilespmem:$0x1CC00] =	vst v63  }
0x2a: {  	_ =	swait.ge [sflag:s12], $0x4000  }
0x2b: {  	s19 =	smov.u32 s21;
	[sflag:s12] =	ssyncset.done $0x0  }
0x2c: {  	s18 =	sshra.s32 s18, $0x2;
	[sflag:s12] =	ssyncadd.s32 $0xFFFFC000  }
0x2d: {  	[tilespmem:s15], [sflag:$0x1] =	stream.indirect.gather [hbm4b:s4+s14], $0x80, s18, s14, $0xb8;
	[tilespmem:$0x1CC00] =	vst v63  }
0x2e: {  	_ =	swait.ge [sflag:s16], $0x4000  }
0x2f: {  	[sflag:s16] =	ssyncset.done $0x0  }
0x30: {  	s18 =	sadd.s32 $0x2800, s18;
	[sflag:s16] =	ssyncadd.s32 $0xFFFFC000  }
0x31: {  	[spmem:s2] =	stream.indirect.scatter.add.f32 [tilespmem:s15], [sflag:$0x2], $0x80, s18, s14, $0xb8;
	[tilespmem:$0x1CC00] =	vst v63  }
0x32: {  	_ =	swait.ge [sflag:s12], $0x4000  }
0x33: {  	s17 =	sadd.s32 $0x1, s17;
	[sflag:s12] =	ssyncset.done $0x0  }
0x34: {  	p0 =	sne.s32 s17, s10;
	[sflag:s12] =	ssyncadd.s32 $0xFFFFC000  }
.Ltmp1:
0x35: {  	[bflag:$0x0] =	sbarrier.arrive $0xFFFF;
	(pc) =	sbr.rel @p0 .LBB2_1-.Ltmp1, $4  }
0x36: {  	[hbm:s9], [sflag:s6] =	dma.local [spmem:s11], $0x2780  }
0x37: {  	_ =	swait.ge [sflag:s12], $0x2780  }
0x38: {  	[sflag:s12] =	ssyncset.done $0x0  }
0x39: {  	[sflag:s12] =	ssyncadd.s32 $0xFFFFD880  }
0x3a: {  	_ =	sfence.sel $0x180000  }
0x3b: {  	[bflag:$0x0] =	sbarrier.arrive $0xFFFF  }
0x3c: {  	p0 =	sne.s32 s0, $0x0;
	_ =	strace $0x9000004D  }
0x3d: {  	s0 =	sadd.s32 @!p0 $0x100000, s1;
	[bflag:$0x2] =	sbarrier.arrive $0xFFFF  }
0x3e: {  	[sflag:s0] =	ssyncadd.tile.s32 @!p0 $0x1;
	_ =	shalt  }
.Lfunc_end2:
_tile_overlayer_lowered:
.L_overlay_start_2:
0x3f: {  	(tag) =	ssettag $0x2  }
0x40: {  	s0 =	rddreg [dreg:$0x0];
	s2 =	stileid.u32  }
0x41: {  	s1 =	rddreg [dreg:$0x1];
	p0 =	sne.s32 s2, $0x0  }
0x42: {  	s3 =	rddreg [dreg:$0x2];
	[bflag:$0x3] =	sbarrier.arrive $0xFFFF;
	s2 =	simm.s32 @!p0 $0x1C02  }
0x43: {  	[timem:s3], [sflag:s2] =	dma.local @!p0 [hbm:s0], s1  }
0x44: {  	s0 =	simm.s32 @!p0 $0x2  }
0x45: {  	_ =	swait.ge @!p0 [sflag:s0], s1  }
0x46: {  	s1 =	ssub.s32 @!p0 $0x0, s1;
	[sflag:s0] =	ssyncset.done @!p0 $0x0  }
0x47: {  	[sflag:s0] =	ssyncadd.s32 @!p0 s1  }
0x48: {  	[bflag:$0x3] =	sbarrier.arrive $0xFFFF  }
0x49: {  	_ =	shalt  }

// kernel: kernel.20.cloned.1.call-start
scs
__scs_entry_jumppad:
0x0: {  	(pc) =	sbr.rel $0x88, $3  }
0x1: {  	(tag) =	ssettag $0x0;
	lr =	simm.s32 $0x1  }
0x2: {  	[smem:$0x3F8E] =	sst lr;
	_ =	strace $0xD0000000  }
0x3: {  	_ = 	snop  }
0x4: {  	_ = 	snop  }
0x5: {  	_ = 	snop  }
0x6: {  	_ = 	snop  }
0x7: {  	_ = 	snop  }
__scs_overlays_trampoline_lowered:
0x8: {  	[smem:$0x3F9D] =	sst s0  }
0x9: {  	[smem:$0x3F9E] =	sst s1  }
0xa: {  	[smem:$0x3F9F] =	sst s2  }
0xb: {  	[smem:$0x3FA0] =	sst s3  }
0xc: {  	[smem:$0x3FA1] =	sst s4  }
0xd: {  	[smem:$0x3FA2] =	sst s5  }
0xe: {  	[smem:$0x3FA3] =	sst s6  }
0xf: {  	[smem:$0x3FA4] =	sst s7  }
0x10: {  	[smem:$0x3FA5] =	sst s8  }
0x11: {  	[smem:$0x3FA6] =	sst s9;
	s0 =	simm.s32 @!p0 $0x0  }
0x12: {  	s1 =	sld [smem:$0x3F8C];
	s0 =	simm.s32 @p0 $0x1  }
0x13: {  	[smem:$0x3FA7] =	sst s0;
	s0 =	simm.s32 @!p1 $0x0  }
0x14: {  	s2 =	sld [smem:$0x3F8B];
	s0 =	simm.s32 @p1 $0x1  }
0x15: {  	[smem:$0x3FA8] =	sst s0;
	s0 =	simm.s32 @!p2 $0x0  }
0x16: {  	s3 =	sld [smem:$0x3FDB];
	s0 =	simm.s32 @p2 $0x1  }
0x17: {  	s4 =	simm.s32 $0x1BF5;
	[smem:$0x3FAA] =	sst s0  }
0x18: {  	s0 =	sld [smem:$0x3F8D];
	_ =	swait.ge [sflag:s4], $0x0  }
0x19: {  	s7 =	sld [smem:$0x3F8E]  }
0x1a: {  	s8 =	sadd.s32 $0xFFFFE003, lr  }
0x1b: {  	s9 =	sadd.s32 $0xFFFFFEF7, lr;
	s5 =	simm.s32 $0xFFFFFFFF;
	p2 =	slt.u32 s8, $0xFFFFF086  }
0x1c: {  	p1 =	slt.u32 s9, $0xF7A;
	s5 =	simm.s32 @!p2 $0x0  }
0x1d: {  	s5 =	simm.s32 @p1 $0x1;
	p0 =	seq.s32 s7, s2  }
0x1e: {  	s7 =	smul.u32 @!p0 $0xF7A, s2;
	p2 =	seq.s32 @!p0 s5, $0x0  }
0x1f: {  	s9 =	smul.u32 $0xF7A, s1;
	s8 =	simm.s32 @!p0 $0x1BF5;
	p2 =	por !p2, p0  }
0x20: {  	[sflag:s8] =	ssyncset.s32 @!p0 $0xFFFFF086;
	s6 =	sadd.s32 @!p0 s3, s7;
	s7 =	simm.s32 @!p0 $0x108  }
0x21: {  	s3 =	sadd.s32 s3, s9;
	s6 =	sadd.s32 @!p0 $0x88, s6;
	s7 =	simm.s32 @p2 $0x1082  }
0x22: {  	[simem:s7], [sflag:s8] =	dma.local @!p0 [hbm:s6], $0xF7A  }
0x23: {  	s9 =	sor.u32 $0xD0000000, s2;
	s6 =	simm.s32 $0x108;
	_ =	swait.ge @!p0 [sflag:s8], $0x0  }
0x24: {  	s3 =	sadd.s32 $0x88, s3;
	s6 =	simm.s32 @!p1 $0x1082;
	[sflag:s4] =	ssyncset.s32 $0xFFFFF086  }
0x25: {  	[simem:s6], [sflag:s4] =	dma.local [hbm:s3], $0xF7A  }
0x26: {  	[smem:$0x3F8E] =	sst s1;
	(tag) =	ssettag s2;
	_ =	strace s9  }
0x27: {  	s1 =	sld [smem:$0x3F9E]  }
0x28: {  	s2 =	sld [smem:$0x3F9F]  }
0x29: {  	s4 =	sld [smem:$0x3FA1]  }
0x2a: {  	p0 =	seq.s32 s5, $0x0;
	s5 =	sld [smem:$0x3FA2]  }
0x2b: {  	s6 =	sld [smem:$0x3FA3]  }
0x2c: {  	s7 =	sld [smem:$0x3FA4]  }
0x2d: {  	s3 =	simm.s32 $0x108;
	s8 =	sld [smem:$0x3FA5]  }
0x2e: {  	s3 =	simm.s32 @!p0 $0x1082;
	s9 =	sld [smem:$0x3FA6]  }
0x2f: {  	lr =	sadd.s32 s0, s3;
	s0 =	sld [smem:$0x3F9D]  }
0x30: {  	s3 =	sld [smem:$0x3FA0]  }
0x31: {  	[smem:$0x3FA9] =	sst s10  }
0x32: {  	s10 =	sld [smem:$0x3FA7];
	_ =	sdelay $0x3  }
0x33: {  	p0 =	seq.s32 s10, $0x1;
	s10 =	sld [smem:$0x3FA9];
	_ =	sdelay $0x3  }
0x34: {  	[smem:$0x3FA9] =	sst s10  }
0x35: {  	s10 =	sld [smem:$0x3FA8];
	_ =	sdelay $0x3  }
0x36: {  	p1 =	seq.s32 s10, $0x1;
	s10 =	sld [smem:$0x3FA9];
	_ =	sdelay $0x3  }
0x37: {  	[smem:$0x3FA9] =	sst s10  }
0x38: {  	s10 =	sld [smem:$0x3FAA]  }
0x39: {  	_ = 	snop;
	(pc) =	sbr.ind lr, $3  }
0x3a: {  	_ = 	snop  }
0x3b: {  	_ = 	snop  }
0x3c: {  	p2 =	seq.s32 s10, $0x1;
	s10 =	sld [smem:$0x3FA9]  }
0x3d: {  	_ =	shalt  }
0x3e: {  	_ =	shalt  }
0x3f: {  	_ =	shalt  }
0x40: {  	_ =	shalt  }
0x41: {  	_ =	shalt  }
0x42: {  	_ =	shalt  }
0x43: {  	_ =	shalt  }
0x44: {  	_ =	shalt  }
0x45: {  	_ =	shalt  }
0x46: {  	_ =	shalt  }
0x47: {  	_ =	shalt  }
0x48: {  	_ =	shalt  }
0x49: {  	_ =	shalt  }
0x4a: {  	_ =	shalt  }
0x4b: {  	_ =	shalt  }
0x4c: {  	_ =	shalt  }
0x4d: {  	_ =	shalt  }
0x4e: {  	_ =	shalt  }
0x4f: {  	_ =	shalt  }
0x50: {  	_ =	shalt  }
0x51: {  	_ =	shalt  }
0x52: {  	_ =	shalt  }
0x53: {  	_ =	shalt  }
0x54: {  	_ =	shalt  }
0x55: {  	_ =	shalt  }
0x56: {  	_ =	shalt  }
0x57: {  	_ =	shalt  }
0x58: {  	_ =	shalt  }
0x59: {  	_ =	shalt  }
0x5a: {  	_ =	shalt  }
0x5b: {  	_ =	shalt  }
0x5c: {  	_ =	shalt  }
0x5d: {  	_ =	shalt  }
0x5e: {  	_ =	shalt  }
0x5f: {  	_ =	shalt  }
0x60: {  	_ =	shalt  }
0x61: {  	_ =	shalt  }
0x62: {  	_ =	shalt  }
0x63: {  	_ =	shalt  }
0x64: {  	_ =	shalt  }
0x65: {  	_ =	shalt  }
0x66: {  	_ =	shalt  }
0x67: {  	_ =	shalt  }
0x68: {  	_ =	shalt  }
0x69: {  	_ =	shalt  }
0x6a: {  	_ =	shalt  }
0x6b: {  	_ =	shalt  }
0x6c: {  	_ =	shalt  }
0x6d: {  	_ =	shalt  }
0x6e: {  	_ =	shalt  }
0x6f: {  	_ =	shalt  }
0x70: {  	_ =	shalt  }
0x71: {  	_ =	shalt  }
0x72: {  	_ =	shalt  }
0x73: {  	_ =	shalt  }
0x74: {  	_ =	shalt  }
0x75: {  	_ =	shalt  }
0x76: {  	_ =	shalt  }
0x77: {  	_ =	shalt  }
0x78: {  	_ =	shalt  }
0x79: {  	_ =	shalt  }
0x7a: {  	_ =	shalt  }
0x7b: {  	_ =	shalt  }
0x7c: {  	_ =	shalt  }
0x7d: {  	_ =	shalt  }
0x7e: {  	_ =	shalt  }
0x7f: {  	_ =	shalt  }
0x80: {  	_ =	shalt  }
0x81: {  	_ =	shalt  }
0x82: {  	_ =	shalt  }
0x83: {  	_ =	shalt  }
0x84: {  	_ =	shalt  }
0x85: {  	_ =	shalt  }
0x86: {  	_ =	shalt  }
0x87: {  	_ =	shalt  }
.Lfunc_end0:
.L_simem_size_0:
called_computation.3_lowered:
.L_overlay_start_0:
0x88: {  	s2 =	sld [smem:$0x3FD9]  }
0x89: {  	s3 =	sld [smem:$0x3FFE];
	_ =	sdelay $0x1  }
0x8a: {  	s1 =	srdreg.scid  }
0x8b: {  	s0 =	sand.u32 $0x1, s1  }
0x8c: {  	s16 =	sshll.u32 s0, $0xA;
	s2 =	sadd.s32 s3, s2  }
0x8d: {  	s2 =	sadd.s32 s2, s16  }
0x8e: {  	[smem:$0x3FB5] =	sst s2  }
0x8f: {  	_ = 	snop  }
0x90: {  	(tm) =	ssettm $0x1  }
0x91: {  	s17 =	sld [smem:$0x3FFB];
	_ =	sdelay $0x3  }
0x92: {  	_ =	strace s17  }
0x93: {  	s2 =	sld [smem:$0x3FFC];
	_ =	sdelay $0x3  }
0x94: {  	_ =	strace s2  }
0x95: {  	s2 =	sld [smem:$0x3FFD];
	_ =	sdelay $0x3  }
0x96: {  	_ =	strace s2  }
0x97: {  	_ =	strace $0x8FFFFFFF  }
0x98: {  	s18 =	sld [smem:$0x3FDB];
	_ =	sdelay $0x1  }
0x99: {  	s19 =	simm.s32 $_scs_section_size  }
0x9a: {  	s4 =	simm.s32 $_size__tile_overlayer_lowered;
	s5 =	simm.s32 $_tile_overlayer_lowered  }
0x9b: {  	s22 =	simm.s32 $0x1BFF;
	s21 =	sshll.u32 s5, $0x1;
	s2 =	sadd.s32 s19, s18  }
0x9c: {  	s6 =	simm.s32 $0x0;
	s20 =	sshll.u32 s4, $0x1;
	s4 =	sadd.s32 s21, s2  }
0x9d: {  	[timem:s6], [sflag:s22] =	dma.local [hbm:s4], s20  }
0x9e: {  	_ =	swait.ge [sflag:s22], s20  }
0x9f: {  	s3 =	ssub.s32 $0x0, s20;
	[sflag:s22] =	ssyncset.done $0x0  }
0xa0: {  	[sflag:s22] =	ssyncadd.s32 s3;
	_ =	sdelay $0x1  }
0xa1: {  	s23 =	simm.s32 $0x1B8B  }
0xa2: {  	_ =	swait.ge [sflag:s23], $0x1  }
0xa3: {  	[sflag:s23] =	ssyncset.done $0x0  }
0xa4: {  	s25 =	simm.s32 $0x1B8E;
	s24 =	sld [smem:$0x3FFE];
	[sflag:s23] =	ssyncadd.s32 $0xFFFFFFFF  }
0xa5: {  	s26 =	simm.s32 $execute0_lowered;
	[smem:$0x3FD2] =	sst s25  }
0xa6: {  	s4 =	sshll.u32 s26, $0x1;
	_ =	strace $0x8000004F;
	[dreg:$0x1] =	wrdreg $0xFFFFFFFF  }
0xa7: {  	s28 =	simm.s32 $_size_execute0_lowered;
	s2 =	sadd.s32 s2, s4;
	[dreg:$0x0] =	wrdreg $0x0  }
0xa8: {  	s4 =	sshll.u32 s28, $0x1;
	[dreg:$0x2] =	wrdreg s2  }
0xa9: {  	[dreg:$0x3] =	wrdreg s4  }
0xaa: {  	[dreg:$0x4] =	wrdreg $0xC0  }
0xab: {  	_ =	task [dreg:s6], $0x5FFFF  }
0xac: {  	[dreg:$0x1] =	wrdreg $0xFFFFFFFF  }
0xad: {  	[dreg:$0x0] =	wrdreg $0x60  }
0xae: {  	[dreg:$0x2] =	wrdreg s24  }
0xaf: {  	[dreg:$0x3] =	wrdreg $0x90000  }
0xb0: {  	[dreg:$0x4] =	wrdreg $0x9  }
0xb1: {  	_ =	task.clear_ibuf [dreg:s6], $0x5FFFF;
	_ =	strace $0x9000004F  }
0xb2: {  	s29 =	simm.s32 $0x9;
	_ =	strace $0x80000051  }
0xb3: {  	_ =	swait.ge [sflag:s29], $0x1  }
0xb4: {  	[sflag:s29] =	ssyncadd.s32 $0xFFFFFFFF  }
0xb5: {  	_ =	strace $0x90000051  }
0xb6: {  	_ =	sfence  }
0xb7: {  	s30 =	sld [smem:$0x0];
	_ =	sdelay $0x2  }
0xb8: {  	s31 =	sshll.u32 s1, $0xD;
	s1 =	sshrl.u32 s1, $0x2  }
0xb9: {  	s3 =	sand.u32 $0x4000, s31;
	s1 =	sadd.s32 s1, s30  }
0xba: {  	s0 =	sor.u32 s3, s0;
	s1 =	sshll.u32 s1, $0x11  }
0xbb: {  	s0 =	sor.u32 s1, s0  }
0xbc: {  	s0 =	sadd.s32 $0x8F2B, s0  }
0xbd: {  	[sflag:s0] =	ssyncadd.remote.s32 $0x1  }
0xbe: {  	_ =	sfence.sel $0xFFFF  }
0xbf: {  	[dreg:$0x0] =	wrdreg $0xFFFFFFFF;
	(pc) =	sbr.abs _section_cstart, $3  }
0xc0: {  	[dreg:$0x1] =	wrdreg $0xFFFFFFFF  }
0xc1: {  	_ =	task.clear_ibuf [dreg:s6], $0x2FFFF;
	_ =	strace $0x9FFFFFFF  }
0xc2: {  	(tm) =	ssettm $0x7FFFFFFF  }
0xc3: {  	_ =	shalt  }
tec
execute0_lowered:
.L_overlay_start_1:
0x0: {  	(tag) =	ssettag $0x1  }
0x1: {  	s7 =	rddreg [dreg:$0x0]  }
0x2: {  	s0 =	srdreg.scid;
	s2 =	rddreg [dreg:$0x1]  }
0x3: {  	s3 =	simm.s32 $0x0;
	s14 =	simm.s32 $0x80;
	s15 =	simm.s32 $0x5000  }
0x4: {  	s16 =	simm.s32 $0x1;
	s6 =	sand.u32 $0x1, s0;
	s0 =	stileid.u32  }
0x5: {  	s17 =	simm.s32 $0x0;
	[smem:$0x7FF] =	sst s3;
	s8 =	smul.u32 $0x13C000, s6  }
0x6: {  	s4 =	sadd.s32 $0x6AA00, s7;
	s1 =	sshll.u32 s6, $0x4;
	s9 =	smul.u32 $0x13C00, s0  }
0x7: {  	s28 =	smul.u32 $0x4F000, s0;
	s6 =	ssub.s32 $0x2, s6;
	s1 =	sor.u32 s0, s1  }
0x8: {  	s31 =	sshll.u32 s0, $0x6;
	s29 =	sshrl.u32 s6, $0x1;
	s5 =	smul.u32 $0x500, s1  }
0x9: {  	s1 =	rddreg [dreg:$0x2];
	_ =	strace $0x80000050;
	s8 =	sadd.s32 s9, s8  }
0xa: {  	s30 =	sshrl.u32 s28, $0x2;
	s12 =	ssub.s32 s6, s29;
	s6 =	sor.u32 $0x1C02, s31  }
0xb: {  	s8 =	sshrl.u32 s8, $0x3;
	s13 =	sadd.s32 s30, s2;
	s10 =	sadd.s32 s5, s7  }
0xc: {  	s5 =	sadd.s32 $0xEA00, s7;
	s11 =	sadd.s32 s8, s7;
	s7 =	sadd.s32 $0x60A00, s10  }
0xd: {  	s8 =	sadd.s32 $0x4A00, s10;
	s9 =	sadd.s32 $0x92200, s11;
	s10 =	smax.u32 s12, $0x1  }
0xe: {  	s11 =	sshrl.u32 s13, $0x3;
	s12 =	simm.s32 $0x2;
	s13 =	simm.s32 $0x2800  }
.LBB2_1:
0xf: {  	[spmem:s11], [sflag:s6] =	dma.local [hbm:s5], $0x2780  }
0x10: {  	_ =	swait.ge [sflag:s12], $0x2780  }
0x11: {  	[sflag:s12] =	ssyncset.done $0x0  }
0x12: {  	[sflag:s12] =	ssyncadd.s32 $0xFFFFD880  }
0x13: {  	[tilespmem:s3], [sflag:$0x2] =	stream.linear.gather [hbm4b:s7+s3], $0x2780, $0x38;
	[tilespmem:$0x1CC00] =	vst v63  }
0x14: {  	_ =	swait.ge [sflag:s12], $0x2780  }
0x15: {  	[sflag:s12] =	ssyncset.done $0x0  }
0x16: {  	[sflag:s12] =	ssyncadd.s32 $0xFFFFD880  }
0x17: {  	[tilespmem:s13], [sflag:$0x2] =	stream.linear.gather [hbm4b:s8+s3], $0x2780, $0x38;
	[tilespmem:$0x1CC00] =	vst v63  }
0x18: {  	_ =	swait.ge [sflag:s12], $0x2780  }
0x19: {  	[sflag:s12] =	ssyncset.done $0x0  }
0x1a: {  	[sflag:s12] =	ssyncadd.s32 $0xFFFFD880  }
0x1b: {  	s18 =	simm.s32 $0x0;
	[bflag:$0x0] =	sbarrier.arrive $0xFFFF  }
0x1c: {  	[tilespmem:s15], [sflag:$0x1] =	stream.indirect.gather [hbm4b:s4+s14], $0x80, s18, s14, $0xb8;
	[tilespmem:$0x1CC00] =	vst v63  }
0x1d: {  	_ =	swait.ge [sflag:s16], $0x4000  }
0x1e: {  	[sflag:s16] =	ssyncset.done $0x0  }
0x1f: {  	s31 =	simm.s32 $0x2800;
	[sflag:s16] =	ssyncadd.s32 $0xFFFFC000  }
0x20: {  	[spmem:s2] =	stream.indirect.scatter.add.f32 [tilespmem:s15], [sflag:$0x2], $0x80, s31, s14, $0xb8;
	[tilespmem:$0x1CC00] =	vst v63  }
0x21: {  	_ =	swait.ge [sflag:s12], $0x4000  }
0x22: {  	s19 =	simm.s32 $0x400;
	s18 =	simm.s32 $0x200;
	[sflag:s12] =	ssyncset.done $0x0  }
.LBB2_2:
0x23: {  	s20 =	sshra.s32 s18, $0x2  }
0x24: {  	[sflag:s12] =	ssyncadd.s32 $0xFFFFC000;
	s18 =	smov.u32 s19;
	s21 =	sadd.s32 $0x200, s19  }
0x25: {  	[tilespmem:s15], [sflag:$0x1] =	stream.indirect.gather [hbm4b:s4+s14], $0x80, s20, s14, $0xb8;
	[tilespmem:$0x1CC00] =	vst v63  }
0x26: {  	p0 =	sne.s32 s19, $0x9C00;
	_ =	swait.ge [sflag:s16], $0x4000  }
.Ltmp0:
0x27: {  	[sflag:s16] =	ssyncset.done $0x0;
	(pc) =	sbr.rel @p0 .LBB2_2-.Ltmp0, $4  }
0x28: {  	s19 =	sadd.s32 $0x2800, s20;
	[sflag:s16] =	ssyncadd.s32 $0xFFFFC000  }
0x29: {  	[spmem:s2] =	stream.indirect.scatter.add.f32 [tilespmem:s15], [sflag:$0x2], $0x80, s19, s14, $0xb8;
	[tilespmem:$0x1CC00] =	vst v63  }
0x2a: {  	_ =	swait.ge [sflag:s12], $0x4000  }
0x2b: {  	s19 =	smov.u32 s21;
	[sflag:s12] =	ssyncset.done $0x0  }
0x2c: {  	s18 =	sshra.s32 s18, $0x2;
	[sflag:s12] =	ssyncadd.s32 $0xFFFFC000  }
0x2d: {  	[tilespmem:s15], [sflag:$0x1] =	stream.indirect.gather [hbm4b:s4+s14], $0x80, s18, s14, $0xb8;
	[tilespmem:$0x1CC00] =	vst v63  }
0x2e: {  	_ =	swait.ge [sflag:s16], $0x4000  }
0x2f: {  	[sflag:s16] =	ssyncset.done $0x0  }
0x30: {  	s18 =	sadd.s32 $0x2800, s18;
	[sflag:s16] =	ssyncadd.s32 $0xFFFFC000  }
0x31: {  	[spmem:s2] =	stream.indirect.scatter.add.f32 [tilespmem:s15], [sflag:$0x2], $0x80, s18, s14, $0xb8;
	[tilespmem:$0x1CC00] =	vst v63  }
0x32: {  	_ =	swait.ge [sflag:s12], $0x4000  }
0x33: {  	s17 =	sadd.s32 $0x1, s17;
	[sflag:s12] =	ssyncset.done $0x0  }
0x34: {  	p0 =	sne.s32 s17, s10;
	[sflag:s12] =	ssyncadd.s32 $0xFFFFC000  }
.Ltmp1:
0x35: {  	[bflag:$0x0] =	sbarrier.arrive $0xFFFF;
	(pc) =	sbr.rel @p0 .LBB2_1-.Ltmp1, $4  }
0x36: {  	[hbm:s9], [sflag:s6] =	dma.local [spmem:s11], $0x2780  }
0x37: {  	_ =	swait.ge [sflag:s12], $0x2780  }
0x38: {  	[sflag:s12] =	ssyncset.done $0x0  }
0x39: {  	[sflag:s12] =	ssyncadd.s32 $0xFFFFD880  }
0x3a: {  	_ =	sfence.sel $0x180000  }
0x3b: {  	[bflag:$0x0] =	sbarrier.arrive $0xFFFF  }
0x3c: {  	p0 =	sne.s32 s0, $0x0;
	_ =	strace $0x90000050  }
0x3d: {  	s0 =	sadd.s32 @!p0 $0x100000, s1;
	[bflag:$0x2] =	sbarrier.arrive $0xFFFF  }
0x3e: {  	[sflag:s0] =	ssyncadd.tile.s32 @!p0 $0x1;
	_ =	shalt  }
.Lfunc_end2:
_tile_overlayer_lowered:
.L_overlay_start_2:
0x3f: {  	(tag) =	ssettag $0x2  }
0x40: {  	s0 =	rddreg [dreg:$0x0];
	s2 =	stileid.u32  }
0x41: {  	s1 =	rddreg [dreg:$0x1];
	p0 =	sne.s32 s2, $0x0  }
0x42: {  	s3 =	rddreg [dreg:$0x2];
	[bflag:$0x3] =	sbarrier.arrive $0xFFFF;
	s2 =	simm.s32 @!p0 $0x1C02  }
0x43: {  	[timem:s3], [sflag:s2] =	dma.local @!p0 [hbm:s0], s1  }
0x44: {  	s0 =	simm.s32 @!p0 $0x2  }
0x45: {  	_ =	swait.ge @!p0 [sflag:s0], s1  }
0x46: {  	s1 =	ssub.s32 @!p0 $0x0, s1;
	[sflag:s0] =	ssyncset.done @!p0 $0x0  }
0x47: {  	[sflag:s0] =	ssyncadd.s32 @!p0 s1  }
0x48: {  	[bflag:$0x3] =	sbarrier.arrive $0xFFFF  }
0x49: {  	_ =	shalt  }

</sc_bundles>
